<compile_context>
chip_gen: v7x
topology: tpu7x:2x2x1
jax: 0.10.2.dev20260603
libtpu: 0.0.44.dev20260713+nightly
codegen_flags: <defaults>
</compile_context>

<pallas_src>
import jax
import jax.numpy as jnp
import numpy as np
from jax import lax
from jax.experimental import pallas as pl
from jax.experimental.pallas import tpu as pltpu
from jax.experimental.pallas import tpu_sc as plsc

B, L, V, D = 4096, 50, 100002, 300
C = 128
NW = 32
BPW = B // NW
CROWS = 128
NCHUNK = BPW * L // CROWS
NPAIR = NCHUNK // 2

_SIDX = (np.arange(16)[:, None] * BPW
         + np.arange(BPW * L) // L).reshape(16, NCHUNK, CROWS).astype(np.int32)


def _pool_body(x_hbm, z_hbm, sidx_hbm, tab_hbm, out_hbm,
               idx_v, sidx_v, buf_a, buf_b, acc_sh, sem_a, sem_b):
    c = lax.axis_index("c")
    s = lax.axis_index("s")
    wid = s * 2 + c
    abase = s * BPW

    pltpu.sync_copy(z_hbm, acc_sh.at[pl.ds(abase, BPW)])
    pltpu.sync_copy(x_hbm.at[pl.ds(wid * NCHUNK * CROWS, NCHUNK * CROWS)],
                    idx_v)
    pltpu.sync_copy(sidx_hbm.at[s], sidx_v)

    def fire(ci, buf, sem):
        pltpu.async_copy(
            tab_hbm.at[idx_v.at[pl.ds(ci * CROWS, CROWS)]], buf, sem)

    def drain_scatter(ci, buf, sem):
        pltpu.make_async_copy(
            tab_hbm.at[idx_v.at[pl.ds(ci * CROWS, CROWS)]], buf, sem).wait()
        pltpu.sync_copy(buf, acc_sh.at[sidx_v.at[ci]], add=True)

    fire(0, buf_a, sem_a)
    fire(1, buf_b, sem_b)

    def pair_body(p, carry):
        ci = 2 * p
        drain_scatter(ci, buf_a, sem_a)
        fire(ci + 2, buf_a, sem_a)
        drain_scatter(ci + 1, buf_b, sem_b)
        fire(ci + 3, buf_b, sem_b)
        return carry

    lax.fori_loop(0, NPAIR - 1, pair_body, 0)

    ci = NCHUNK - 2
    drain_scatter(ci, buf_a, sem_a)
    drain_scatter(ci + 1, buf_b, sem_b)

    plsc.subcore_barrier()
    pltpu.sync_copy(acc_sh.at[pl.ds(abase, BPW)],
                    out_hbm.at[pl.ds(wid * BPW, BPW)])


def _pool_slice(xi, tab):
    mesh = plsc.VectorSubcoreMesh(core_axis_name="c", subcore_axis_name="s")
    kern = pl.kernel(
        _pool_body,
        out_type=jax.ShapeDtypeStruct((B, C), jnp.float32),
        mesh=mesh,
        compiler_params=pltpu.CompilerParams(use_tc_tiling_on_sc=True),
        scratch_types=[
            pltpu.VMEM((NCHUNK * CROWS,), jnp.int32),
            pltpu.VMEM((NCHUNK, CROWS), jnp.int32),
            pltpu.VMEM((CROWS, C), jnp.float32),
            pltpu.VMEM((CROWS, C), jnp.float32),
            pltpu.VMEM_SHARED((B // 2, C), jnp.float32),
            pltpu.SemaphoreType.DMA,
            pltpu.SemaphoreType.DMA,
        ],
    )
    zeros = jnp.zeros((BPW, C), jnp.float32)
    return kern(xi, zeros, _SIDX, tab)


def _mlp_body(x0_ref, x1_ref, x2_ref, w1a_ref, w1b_ref, w1c_ref, b1_ref,
              w2_ref, b2_ref, w3_ref, b3_ref, o_ref):
    h = (jnp.dot(x0_ref[...], w1a_ref[...], preferred_element_type=jnp.float32)
         + jnp.dot(x1_ref[...], w1b_ref[...],
                   preferred_element_type=jnp.float32)
         + jnp.dot(x2_ref[...], w1c_ref[...],
                   preferred_element_type=jnp.float32))
    h = h * (1.0 / L) + b1_ref[...]
    h = jnp.where(h >= 0, h, 0.01 * h)
    h = jnp.dot(h, w2_ref[...], preferred_element_type=jnp.float32)
    h = h + b2_ref[...]
    h = jnp.where(h >= 0, h, 0.01 * h)
    h = jnp.dot(h, w3_ref[...], preferred_element_type=jnp.float32)
    o_ref[...] = h + b3_ref[...]


def _mlp(x0, x1, x2, w1a, w1b, w1c, b1, W2, b2, W3, b3):
    blk = 512
    xspec = pl.BlockSpec((blk, C), lambda i: (i, 0))
    w1spec = pl.BlockSpec((C, D), lambda i: (0, 0))
    wspec = pl.BlockSpec((D, D), lambda i: (0, 0))
    bspec = pl.BlockSpec((1, D), lambda i: (0, 0))
    return pl.pallas_call(
        _mlp_body,
        grid=(B // blk,),
        in_specs=[xspec, xspec, xspec, w1spec, w1spec, w1spec,
                  bspec, wspec, bspec, wspec, bspec],
        out_specs=pl.BlockSpec((blk, D), lambda i: (i, 0)),
        out_shape=jax.ShapeDtypeStruct((B, D), jnp.float32),
    )(x0, x1, x2, w1a, w1b, w1c, b1.reshape(1, D), W2, b2.reshape(1, D),
      W3, b3.reshape(1, D))


def kernel(x, table, W1, b1, W2, b2, W3, b3):
    xi = x.astype(jnp.int32).reshape(NW * NCHUNK * CROWS)
    t0 = table[:, 0:C]
    t1 = table[:, C:2 * C]
    t2 = table[:, D - C:D]
    w1a = W1[0:C]
    w1b = W1[C:2 * C]
    w1c = jnp.concatenate(
        [jnp.zeros((2 * C - (D - C), D), jnp.float32), W1[2 * C:D]], axis=0)
    x0 = _pool_slice(xi, t0)
    x1 = _pool_slice(xi, t1)
    x2 = _pool_slice(xi, t2)
    return _mlp(x0, x1, x2, w1a, w1b, w1c, b1, W2, b2, W3, b3)

# --- scband reference (transcript-rebuilt; emitter-appended) ---
"""Pipeline reference for scband-phrase2-vec-dan-50002009260451 (READ-ONLY COPY).

The authoritative reference and input builder live on the scoring server;
editing this copy changes nothing except your own understanding.
"""

import jax, jax.numpy as jnp
import numpy as np

B, L, V, D, H1, H2, O = 4096, 50, 100002, 300, 300, 300, 300

def setup_inputs(seed: int = 0) -> dict:
    key = jax.random.key(seed)
    ks = jax.random.split(key, 8)
    x = jax.random.randint(ks[0], (B, L), 0, 100000, dtype=jnp.int64)
    table = jax.random.normal(ks[1], (V, D), dtype=jnp.float32) * 0.02
    W1 = jax.random.normal(ks[2], (D, H1), dtype=jnp.float32) * (1.0 / np.sqrt(D))
    b1 = jnp.zeros((H1,), dtype=jnp.float32)
    W2 = jax.random.normal(ks[3], (H1, H2), dtype=jnp.float32) * (1.0 / np.sqrt(H1))
    b2 = jnp.zeros((H2,), dtype=jnp.float32)
    W3 = jax.random.normal(ks[4], (H2, O), dtype=jnp.float32) * (1.0 / np.sqrt(H2))
    b3 = jnp.zeros((O,), dtype=jnp.float32)
    return {"x": x, "table": table, "W1": W1, "b1": b1, "W2": W2, "b2": b2, "W3": W3, "b3": b3}

def reference(x, table, W1, b1, W2, b2, W3, b3):
    slope = 0.01
    embed = jnp.take(table, x, axis=0)          # [B, L, D] embedding gather
    out = jnp.mean(embed, axis=1)               # [B, D] deep-averaging
    # dropout: eval mode -> identity
    h = out @ W1 + b1
    h = jnp.where(h >= 0, h, slope * h)         # LeakyReLU
    h = h @ W2 + b2
    h = jnp.where(h >= 0, h, slope * h)
    h = h @ W3 + b3
    return h

if __name__ == "__main__":
    import jax
    _d = setup_inputs()
    print(jax.jit(kernel)(*tuple(_d.values())))

</pallas_src>

<mosaic_0001>
#map = affine_map<(d0, d1) -> (0)>
#map1 = affine_map<(d0, d1) -> (0, 0)>
#map2 = affine_map<(d0, d1) -> (0, 0, 0)>
module attributes {stable_mosaic.version = 14 : i64} {
  func.func @_pool_body(%arg0: i32, %arg1: i32, %arg2: memref<204800xi32, #tpu.memory_space<hbm>>, %arg3: memref<128x128xf32, #tpu.memory_space<hbm>>, %arg4: memref<16x50x128xi32, #tpu.memory_space<hbm>>, %arg5: memref<100002x128xf32, #tpu.memory_space<hbm>>, %arg6: memref<4096x128xf32, #tpu.memory_space<hbm>>, %arg7: memref<6400xi32, #tpu.memory_space<vmem>>, %arg8: memref<50x128xi32, #tpu.memory_space<vmem>>, %arg9: memref<128x128xf32, #tpu.memory_space<vmem>>, %arg10: memref<128x128xf32, #tpu.memory_space<vmem>>, %arg11: memref<2048x128xf32, #tpu.memory_space<vmem_shared>>, %arg12: memref<!tpu.dma_semaphore, #tpu.memory_space<semaphore_mem>>, %arg13: memref<!tpu.dma_semaphore, #tpu.memory_space<semaphore_mem>>) attributes {dimension_semantics = [#tpu.dimension_semantics<core_parallel>, #tpu.dimension_semantics<subcore_parallel>], iteration_bounds = array<i64: 2, 16>, scalar_prefetch = 0 : i64, scratch_operands = 7 : i64, tpu.core_type = #tpu.core_type<sc_vector_subcore>, window_params = [{transform_indices = #map}, {transform_indices = #map1}, {transform_indices = #map2}, {transform_indices = #map1}, {transform_indices = #map1}]} {
    %mul3A = arith.constant 2 : i32
    %mul3A_0 = arith.muli %arg1, %mul3A : i32
    %add3A = arith.addi %mul3A_0, %arg0 : i32
    %mul3A_1 = arith.constant 128 : i32
    %mul3A_2 = arith.muli %arg1, %mul3A_1 : i32
    "tpu.region"() ({
      %run_scoped3A_33 = tpu.sem_alloc : memref<!tpu.dma_semaphore, #tpu.memory_space<semaphore_mem>>
      %dma_start3A_34 = arith.constant 0 : i32
      %dma_start3A_35 = tpu.memref_slice %arg11[%mul3A_2, %dma_start3A_34] : memref<2048x128xf32, #tpu.memory_space<vmem_shared>> -> memref<128x128xf32, #tpu.memory_space<vmem_shared>>
      tpu.enqueue_dma source(%arg3 : memref<128x128xf32, #tpu.memory_space<hbm>>) target(%dma_start3A_35 : memref<128x128xf32, #tpu.memory_space<vmem_shared>>) target_semaphore(%run_scoped3A_33 : memref<!tpu.dma_semaphore, #tpu.memory_space<semaphore_mem>>)
      %dma_wait3A_36 = arith.constant 0 : i32
      %dma_wait3A_37 = tpu.memref_slice %arg11[%mul3A_2, %dma_wait3A_36] : memref<2048x128xf32, #tpu.memory_space<vmem_shared>> -> memref<128x128xf32, #tpu.memory_space<vmem_shared>>
      tpu.wait_dma2 semaphore(%run_scoped3A_33 : memref<!tpu.dma_semaphore, #tpu.memory_space<semaphore_mem>>) src(%arg3 : memref<128x128xf32, #tpu.memory_space<hbm>>) dst(%dma_wait3A_37 : memref<128x128xf32, #tpu.memory_space<vmem_shared>>)
      tpu.yield
    }) : () -> ()
    %mul3A_3 = arith.constant 50 : i32
    %mul3A_4 = arith.muli %add3A, %mul3A_3 : i32
    %mul3A_5 = arith.constant 128 : i32
    %mul3A_6 = arith.muli %mul3A_4, %mul3A_5 : i32
    "tpu.region"() ({
      %run_scoped3A_33 = tpu.sem_alloc : memref<!tpu.dma_semaphore, #tpu.memory_space<semaphore_mem>>
      %dma_start3A_34 = tpu.memref_slice %arg2[%mul3A_6] : memref<204800xi32, #tpu.memory_space<hbm>> -> memref<6400xi32, #tpu.memory_space<hbm>>
      %dma_start3A_35 = tpu.memref_slice %arg2[%mul3A_6] : memref<204800xi32, #tpu.memory_space<hbm>> -> memref<6400xi32, #tpu.memory_space<hbm>>
      tpu.enqueue_dma source(%dma_start3A_35 : memref<6400xi32, #tpu.memory_space<hbm>>) target(%arg7 : memref<6400xi32, #tpu.memory_space<vmem>>) target_semaphore(%run_scoped3A_33 : memref<!tpu.dma_semaphore, #tpu.memory_space<semaphore_mem>>)
      %dma_wait3A_36 = tpu.memref_slice %arg2[%mul3A_6] : memref<204800xi32, #tpu.memory_space<hbm>> -> memref<6400xi32, #tpu.memory_space<hbm>>
      %dma_wait3A_37 = tpu.memref_slice %arg2[%mul3A_6] : memref<204800xi32, #tpu.memory_space<hbm>> -> memref<6400xi32, #tpu.memory_space<hbm>>
      tpu.wait_dma2 semaphore(%run_scoped3A_33 : memref<!tpu.dma_semaphore, #tpu.memory_space<semaphore_mem>>) src(%dma_wait3A_37 : memref<6400xi32, #tpu.memory_space<hbm>>) dst(%arg7 : memref<6400xi32, #tpu.memory_space<vmem>>)
      tpu.yield
    }) : () -> ()
    "tpu.region"() ({
      %run_scoped3A_33 = tpu.sem_alloc : memref<!tpu.dma_semaphore, #tpu.memory_space<semaphore_mem>>
      %dma_start3A_34 = arith.constant 0 : i32
      %dma_start3A_35 = arith.constant 0 : i32
      %dma_start3A_36 = tpu.memref_slice %arg4[%arg1, %dma_start3A_34, %dma_start3A_35] : memref<16x50x128xi32, #tpu.memory_space<hbm>> -> memref<1x50x128xi32, #tpu.memory_space<hbm>>
      %dma_start3A_37 = tpu.memref_squeeze %dma_start3A_36 : memref<1x50x128xi32, #tpu.memory_space<hbm>> -> memref<50x128xi32, #tpu.memory_space<hbm>>
      %dma_start3A_38 = arith.constant 0 : i32
      %dma_start3A_39 = arith.constant 0 : i32
      %dma_start3A_40 = tpu.memref_slice %arg4[%arg1, %dma_start3A_38, %dma_start3A_39] : memref<16x50x128xi32, #tpu.memory_space<hbm>> -> memref<1x50x128xi32, #tpu.memory_space<hbm>>
      %dma_start3A_41 = tpu.memref_squeeze %dma_start3A_40 : memref<1x50x128xi32, #tpu.memory_space<hbm>> -> memref<50x128xi32, #tpu.memory_space<hbm>>
      tpu.enqueue_dma source(%dma_start3A_41 : memref<50x128xi32, #tpu.memory_space<hbm>>) target(%arg8 : memref<50x128xi32, #tpu.memory_space<vmem>>) target_semaphore(%run_scoped3A_33 : memref<!tpu.dma_semaphore, #tpu.memory_space<semaphore_mem>>)
      %dma_wait3A_42 = arith.constant 0 : i32
      %dma_wait3A_43 = arith.constant 0 : i32
      %dma_wait3A_44 = tpu.memref_slice %arg4[%arg1, %dma_wait3A_42, %dma_wait3A_43] : memref<16x50x128xi32, #tpu.memory_space<hbm>> -> memref<1x50x128xi32, #tpu.memory_space<hbm>>
      %dma_wait3A_45 = tpu.memref_squeeze %dma_wait3A_44 : memref<1x50x128xi32, #tpu.memory_space<hbm>> -> memref<50x128xi32, #tpu.memory_space<hbm>>
      %dma_wait3A_46 = arith.constant 0 : i32
      %dma_wait3A_47 = arith.constant 0 : i32
      %dma_wait3A_48 = tpu.memref_slice %arg4[%arg1, %dma_wait3A_46, %dma_wait3A_47] : memref<16x50x128xi32, #tpu.memory_space<hbm>> -> memref<1x50x128xi32, #tpu.memory_space<hbm>>
      %dma_wait3A_49 = tpu.memref_squeeze %dma_wait3A_48 : memref<1x50x128xi32, #tpu.memory_space<hbm>> -> memref<50x128xi32, #tpu.memory_space<hbm>>
      tpu.wait_dma2 semaphore(%run_scoped3A_33 : memref<!tpu.dma_semaphore, #tpu.memory_space<semaphore_mem>>) src(%dma_wait3A_49 : memref<50x128xi32, #tpu.memory_space<hbm>>) dst(%arg8 : memref<50x128xi32, #tpu.memory_space<vmem>>)
      tpu.yield
    }) : () -> ()
    %dma_start3A = arith.constant 0 : i32
    %dma_start3A_7 = tpu.memref_slice %arg7[%dma_start3A] : memref<6400xi32, #tpu.memory_space<vmem>> -> memref<128xi32, #tpu.memory_space<vmem>>
    %dma_start3A_8 = arith.constant 0 : i32
    %dma_start3A_9 = arith.constant 0 : i32
    %dma_start3A_10 = tpu.memref_slice %arg5[%dma_start3A_8, %dma_start3A_9] : memref<100002x128xf32, #tpu.memory_space<hbm>> -> memref<100002x128xf32, #tpu.memory_space<hbm>>
    tpu.enqueue_indirect_dma source(%dma_start3A_10 : memref<100002x128xf32, #tpu.memory_space<hbm>>) target(%arg9 : memref<128x128xf32, #tpu.memory_space<vmem>>) offsets(%dma_start3A_7 : memref<128xi32, #tpu.memory_space<vmem>>) semaphore(%arg12 : memref<!tpu.dma_semaphore, #tpu.memory_space<semaphore_mem>>)
    %dma_start3A_11 = arith.constant 128 : i32
    %dma_start3A_12 = tpu.memref_slice %arg7[%dma_start3A_11] : memref<6400xi32, #tpu.memory_space<vmem>> -> memref<128xi32, #tpu.memory_space<vmem>>
    %dma_start3A_13 = arith.constant 0 : i32
    %dma_start3A_14 = arith.constant 0 : i32
    %dma_start3A_15 = tpu.memref_slice %arg5[%dma_start3A_13, %dma_start3A_14] : memref<100002x128xf32, #tpu.memory_space<hbm>> -> memref<100002x128xf32, #tpu.memory_space<hbm>>
    tpu.enqueue_indirect_dma source(%dma_start3A_15 : memref<100002x128xf32, #tpu.memory_space<hbm>>) target(%arg10 : memref<128x128xf32, #tpu.memory_space<vmem>>) offsets(%dma_start3A_12 : memref<128xi32, #tpu.memory_space<vmem>>) semaphore(%arg13 : memref<!tpu.dma_semaphore, #tpu.memory_space<semaphore_mem>>)
    %scan3A = arith.constant 0 : i32
    %scan3A_16 = arith.constant 0 : i32
    %scan3A_17 = arith.constant 24 : i32
    %scan3A_18 = arith.addi %scan3A_16, %scan3A_17 : i32
    %scan3A_19 = arith.constant 1 : i32
    scf.for %scan3A_33 = %scan3A_16 to %scan3A_18 step %scan3A_19  : i32 {
      %mul3A_34 = arith.constant 2 : i32
      %mul3A_35 = arith.muli %mul3A_34, %scan3A_33 : i32
      %mul3A_36 = arith.constant 128 : i32
      %mul3A_37 = arith.muli %mul3A_35, %mul3A_36 : i32
      %dma_wait3A_38 = tpu.memref_slice %arg7[%mul3A_37] : memref<6400xi32, #tpu.memory_space<vmem>> -> memref<128xi32, #tpu.memory_space<vmem>>
      %dma_wait3A_39 = arith.constant 0 : i32
      %dma_wait3A_40 = arith.constant 0 : i32
      %dma_wait3A_41 = tpu.memref_slice %arg5[%dma_wait3A_39, %dma_wait3A_40] : memref<100002x128xf32, #tpu.memory_space<hbm>> -> memref<100002x128xf32, #tpu.memory_space<hbm>>
      tpu.wait_indirect_dma semaphore(%arg12 : memref<!tpu.dma_semaphore, #tpu.memory_space<semaphore_mem>>) src(%dma_wait3A_41 : memref<100002x128xf32, #tpu.memory_space<hbm>>) dst(%arg9 : memref<128x128xf32, #tpu.memory_space<vmem>>)
      "tpu.region"() ({
        %run_scoped3A_66 = tpu.sem_alloc : memref<!tpu.dma_semaphore, #tpu.memory_space<semaphore_mem>>
        %dma_start3A_67 = arith.constant 0 : i32
        %dma_start3A_68 = tpu.memref_slice %arg8[%mul3A_35, %dma_start3A_67] : memref<50x128xi32, #tpu.memory_space<vmem>> -> memref<1x128xi32, #tpu.memory_space<vmem>>
        %dma_start3A_69 = tpu.memref_squeeze %dma_start3A_68 : memref<1x128xi32, #tpu.memory_space<vmem>> -> memref<128xi32, #tpu.memory_space<vmem>>
        %dma_start3A_70 = arith.constant 0 : i32
        %dma_start3A_71 = arith.constant 0 : i32
        %dma_start3A_72 = tpu.memref_slice %arg11[%dma_start3A_70, %dma_start3A_71] : memref<2048x128xf32, #tpu.memory_space<vmem_shared>> -> memref<2048x128xf32, #tpu.memory_space<vmem_shared>>
        tpu.enqueue_indirect_dma source(%arg9 : memref<128x128xf32, #tpu.memory_space<vmem>>) target(%dma_start3A_72 : memref<2048x128xf32, #tpu.memory_space<vmem_shared>>) offsets(%dma_start3A_69 : memref<128xi32, #tpu.memory_space<vmem>>) semaphore(%run_scoped3A_66 : memref<!tpu.dma_semaphore, #tpu.memory_space<semaphore_mem>>) {add = true}
        %dma_wait3A_73 = arith.constant 0 : i32
        %dma_wait3A_74 = tpu.memref_slice %arg8[%mul3A_35, %dma_wait3A_73] : memref<50x128xi32, #tpu.memory_space<vmem>> -> memref<1x128xi32, #tpu.memory_space<vmem>>
        %dma_wait3A_75 = tpu.memref_squeeze %dma_wait3A_74 : memref<1x128xi32, #tpu.memory_space<vmem>> -> memref<128xi32, #tpu.memory_space<vmem>>
        %dma_wait3A_76 = arith.constant 0 : i32
        %dma_wait3A_77 = arith.constant 0 : i32
        %dma_wait3A_78 = tpu.memref_slice %arg11[%dma_wait3A_76, %dma_wait3A_77] : memref<2048x128xf32, #tpu.memory_space<vmem_shared>> -> memref<2048x128xf32, #tpu.memory_space<vmem_shared>>
        tpu.wait_indirect_dma semaphore(%run_scoped3A_66 : memref<!tpu.dma_semaphore, #tpu.memory_space<semaphore_mem>>) src(%arg9 : memref<128x128xf32, #tpu.memory_space<vmem>>) dst(%dma_wait3A_78 : memref<2048x128xf32, #tpu.memory_space<vmem_shared>>)
        tpu.yield
      }) : () -> ()
      %add3A_42 = arith.constant 2 : i32
      %add3A_43 = arith.addi %mul3A_35, %add3A_42 : i32
      %mul3A_44 = arith.constant 128 : i32
      %mul3A_45 = arith.muli %add3A_43, %mul3A_44 : i32
      %dma_start3A_46 = tpu.memref_slice %arg7[%mul3A_45] : memref<6400xi32, #tpu.memory_space<vmem>> -> memref<128xi32, #tpu.memory_space<vmem>>
      %dma_start3A_47 = arith.constant 0 : i32
      %dma_start3A_48 = arith.constant 0 : i32
      %dma_start3A_49 = tpu.memref_slice %arg5[%dma_start3A_47, %dma_start3A_48] : memref<100002x128xf32, #tpu.memory_space<hbm>> -> memref<100002x128xf32, #tpu.memory_space<hbm>>
      tpu.enqueue_indirect_dma source(%dma_start3A_49 : memref<100002x128xf32, #tpu.memory_space<hbm>>) target(%arg9 : memref<128x128xf32, #tpu.memory_space<vmem>>) offsets(%dma_start3A_46 : memref<128xi32, #tpu.memory_space<vmem>>) semaphore(%arg12 : memref<!tpu.dma_semaphore, #tpu.memory_space<semaphore_mem>>)
      %add3A_50 = arith.constant 1 : i32
      %add3A_51 = arith.addi %mul3A_35, %add3A_50 : i32
      %mul3A_52 = arith.constant 128 : i32
      %mul3A_53 = arith.muli %add3A_51, %mul3A_52 : i32
      %dma_wait3A_54 = tpu.memref_slice %arg7[%mul3A_53] : memref<6400xi32, #tpu.memory_space<vmem>> -> memref<128xi32, #tpu.memory_space<vmem>>
      %dma_wait3A_55 = arith.constant 0 : i32
      %dma_wait3A_56 = arith.constant 0 : i32
      %dma_wait3A_57 = tpu.memref_slice %arg5[%dma_wait3A_55, %dma_wait3A_56] : memref<100002x128xf32, #tpu.memory_space<hbm>> -> memref<100002x128xf32, #tpu.memory_space<hbm>>
      tpu.wait_indirect_dma semaphore(%arg13 : memref<!tpu.dma_semaphore, #tpu.memory_space<semaphore_mem>>) src(%dma_wait3A_57 : memref<100002x128xf32, #tpu.memory_space<hbm>>) dst(%arg10 : memref<128x128xf32, #tpu.memory_space<vmem>>)
      "tpu.region"() ({
        %run_scoped3A_66 = tpu.sem_alloc : memref<!tpu.dma_semaphore, #tpu.memory_space<semaphore_mem>>
        %dma_start3A_67 = arith.constant 0 : i32
        %dma_start3A_68 = tpu.memref_slice %arg8[%add3A_51, %dma_start3A_67] : memref<50x128xi32, #tpu.memory_space<vmem>> -> memref<1x128xi32, #tpu.memory_space<vmem>>
        %dma_start3A_69 = tpu.memref_squeeze %dma_start3A_68 : memref<1x128xi32, #tpu.memory_space<vmem>> -> memref<128xi32, #tpu.memory_space<vmem>>
        %dma_start3A_70 = arith.constant 0 : i32
        %dma_start3A_71 = arith.constant 0 : i32
        %dma_start3A_72 = tpu.memref_slice %arg11[%dma_start3A_70, %dma_start3A_71] : memref<2048x128xf32, #tpu.memory_space<vmem_shared>> -> memref<2048x128xf32, #tpu.memory_space<vmem_shared>>
        tpu.enqueue_indirect_dma source(%arg10 : memref<128x128xf32, #tpu.memory_space<vmem>>) target(%dma_start3A_72 : memref<2048x128xf32, #tpu.memory_space<vmem_shared>>) offsets(%dma_start3A_69 : memref<128xi32, #tpu.memory_space<vmem>>) semaphore(%run_scoped3A_66 : memref<!tpu.dma_semaphore, #tpu.memory_space<semaphore_mem>>) {add = true}
        %dma_wait3A_73 = arith.constant 0 : i32
        %dma_wait3A_74 = tpu.memref_slice %arg8[%add3A_51, %dma_wait3A_73] : memref<50x128xi32, #tpu.memory_space<vmem>> -> memref<1x128xi32, #tpu.memory_space<vmem>>
        %dma_wait3A_75 = tpu.memref_squeeze %dma_wait3A_74 : memref<1x128xi32, #tpu.memory_space<vmem>> -> memref<128xi32, #tpu.memory_space<vmem>>
        %dma_wait3A_76 = arith.constant 0 : i32
        %dma_wait3A_77 = arith.constant 0 : i32
        %dma_wait3A_78 = tpu.memref_slice %arg11[%dma_wait3A_76, %dma_wait3A_77] : memref<2048x128xf32, #tpu.memory_space<vmem_shared>> -> memref<2048x128xf32, #tpu.memory_space<vmem_shared>>
        tpu.wait_indirect_dma semaphore(%run_scoped3A_66 : memref<!tpu.dma_semaphore, #tpu.memory_space<semaphore_mem>>) src(%arg10 : memref<128x128xf32, #tpu.memory_space<vmem>>) dst(%dma_wait3A_78 : memref<2048x128xf32, #tpu.memory_space<vmem_shared>>)
        tpu.yield
      }) : () -> ()
      %add3A_58 = arith.constant 3 : i32
      %add3A_59 = arith.addi %mul3A_35, %add3A_58 : i32
      %mul3A_60 = arith.constant 128 : i32
      %mul3A_61 = arith.muli %add3A_59, %mul3A_60 : i32
      %dma_start3A_62 = tpu.memref_slice %arg7[%mul3A_61] : memref<6400xi32, #tpu.memory_space<vmem>> -> memref<128xi32, #tpu.memory_space<vmem>>
      %dma_start3A_63 = arith.constant 0 : i32
      %dma_start3A_64 = arith.constant 0 : i32
      %dma_start3A_65 = tpu.memref_slice %arg5[%dma_start3A_63, %dma_start3A_64] : memref<100002x128xf32, #tpu.memory_space<hbm>> -> memref<100002x128xf32, #tpu.memory_space<hbm>>
      tpu.enqueue_indirect_dma source(%dma_start3A_65 : memref<100002x128xf32, #tpu.memory_space<hbm>>) target(%arg10 : memref<128x128xf32, #tpu.memory_space<vmem>>) offsets(%dma_start3A_62 : memref<128xi32, #tpu.memory_space<vmem>>) semaphore(%arg13 : memref<!tpu.dma_semaphore, #tpu.memory_space<semaphore_mem>>)
    }
    %scan3A_20 = arith.constant 24 : i32
    %dma_wait3A = arith.constant 6144 : i32
    %dma_wait3A_21 = tpu.memref_slice %arg7[%dma_wait3A] : memref<6400xi32, #tpu.memory_space<vmem>> -> memref<128xi32, #tpu.memory_space<vmem>>
    %dma_wait3A_22 = arith.constant 0 : i32
    %dma_wait3A_23 = arith.constant 0 : i32
    %dma_wait3A_24 = tpu.memref_slice %arg5[%dma_wait3A_22, %dma_wait3A_23] : memref<100002x128xf32, #tpu.memory_space<hbm>> -> memref<100002x128xf32, #tpu.memory_space<hbm>>
    tpu.wait_indirect_dma semaphore(%arg12 : memref<!tpu.dma_semaphore, #tpu.memory_space<semaphore_mem>>) src(%dma_wait3A_24 : memref<100002x128xf32, #tpu.memory_space<hbm>>) dst(%arg9 : memref<128x128xf32, #tpu.memory_space<vmem>>)
    %run_scoped3A = arith.constant 48 : i32
    "tpu.region"() ({
      %run_scoped3A_33 = tpu.sem_alloc : memref<!tpu.dma_semaphore, #tpu.memory_space<semaphore_mem>>
      %dma_start3A_34 = arith.constant 0 : i32
      %dma_start3A_35 = tpu.memref_slice %arg8[%run_scoped3A, %dma_start3A_34] : memref<50x128xi32, #tpu.memory_space<vmem>> -> memref<1x128xi32, #tpu.memory_space<vmem>>
      %dma_start3A_36 = tpu.memref_squeeze %dma_start3A_35 : memref<1x128xi32, #tpu.memory_space<vmem>> -> memref<128xi32, #tpu.memory_space<vmem>>
      %dma_start3A_37 = arith.constant 0 : i32
      %dma_start3A_38 = arith.constant 0 : i32
      %dma_start3A_39 = tpu.memref_slice %arg11[%dma_start3A_37, %dma_start3A_38] : memref<2048x128xf32, #tpu.memory_space<vmem_shared>> -> memref<2048x128xf32, #tpu.memory_space<vmem_shared>>
      tpu.enqueue_indirect_dma source(%arg9 : memref<128x128xf32, #tpu.memory_space<vmem>>) target(%dma_start3A_39 : memref<2048x128xf32, #tpu.memory_space<vmem_shared>>) offsets(%dma_start3A_36 : memref<128xi32, #tpu.memory_space<vmem>>) semaphore(%run_scoped3A_33 : memref<!tpu.dma_semaphore, #tpu.memory_space<semaphore_mem>>) {add = true}
      %dma_wait3A_40 = arith.constant 0 : i32
      %dma_wait3A_41 = tpu.memref_slice %arg8[%run_scoped3A, %dma_wait3A_40] : memref<50x128xi32, #tpu.memory_space<vmem>> -> memref<1x128xi32, #tpu.memory_space<vmem>>
      %dma_wait3A_42 = tpu.memref_squeeze %dma_wait3A_41 : memref<1x128xi32, #tpu.memory_space<vmem>> -> memref<128xi32, #tpu.memory_space<vmem>>
      %dma_wait3A_43 = arith.constant 0 : i32
      %dma_wait3A_44 = arith.constant 0 : i32
      %dma_wait3A_45 = tpu.memref_slice %arg11[%dma_wait3A_43, %dma_wait3A_44] : memref<2048x128xf32, #tpu.memory_space<vmem_shared>> -> memref<2048x128xf32, #tpu.memory_space<vmem_shared>>
      tpu.wait_indirect_dma semaphore(%run_scoped3A_33 : memref<!tpu.dma_semaphore, #tpu.memory_space<semaphore_mem>>) src(%arg9 : memref<128x128xf32, #tpu.memory_space<vmem>>) dst(%dma_wait3A_45 : memref<2048x128xf32, #tpu.memory_space<vmem_shared>>)
      tpu.yield
    }) : () -> ()
    %dma_wait3A_25 = arith.constant 6272 : i32
    %dma_wait3A_26 = tpu.memref_slice %arg7[%dma_wait3A_25] : memref<6400xi32, #tpu.memory_space<vmem>> -> memref<128xi32, #tpu.memory_space<vmem>>
    %dma_wait3A_27 = arith.constant 0 : i32
    %dma_wait3A_28 = arith.constant 0 : i32
    %dma_wait3A_29 = tpu.memref_slice %arg5[%dma_wait3A_27, %dma_wait3A_28] : memref<100002x128xf32, #tpu.memory_space<hbm>> -> memref<100002x128xf32, #tpu.memory_space<hbm>>
    tpu.wait_indirect_dma semaphore(%arg13 : memref<!tpu.dma_semaphore, #tpu.memory_space<semaphore_mem>>) src(%dma_wait3A_29 : memref<100002x128xf32, #tpu.memory_space<hbm>>) dst(%arg10 : memref<128x128xf32, #tpu.memory_space<vmem>>)
    %run_scoped3A_30 = arith.constant 49 : i32
    "tpu.region"() ({
      %run_scoped3A_33 = tpu.sem_alloc : memref<!tpu.dma_semaphore, #tpu.memory_space<semaphore_mem>>
      %dma_start3A_34 = arith.constant 0 : i32
      %dma_start3A_35 = tpu.memref_slice %arg8[%run_scoped3A_30, %dma_start3A_34] : memref<50x128xi32, #tpu.memory_space<vmem>> -> memref<1x128xi32, #tpu.memory_space<vmem>>
      %dma_start3A_36 = tpu.memref_squeeze %dma_start3A_35 : memref<1x128xi32, #tpu.memory_space<vmem>> -> memref<128xi32, #tpu.memory_space<vmem>>
      %dma_start3A_37 = arith.constant 0 : i32
      %dma_start3A_38 = arith.constant 0 : i32
      %dma_start3A_39 = tpu.memref_slice %arg11[%dma_start3A_37, %dma_start3A_38] : memref<2048x128xf32, #tpu.memory_space<vmem_shared>> -> memref<2048x128xf32, #tpu.memory_space<vmem_shared>>
      tpu.enqueue_indirect_dma source(%arg10 : memref<128x128xf32, #tpu.memory_space<vmem>>) target(%dma_start3A_39 : memref<2048x128xf32, #tpu.memory_space<vmem_shared>>) offsets(%dma_start3A_36 : memref<128xi32, #tpu.memory_space<vmem>>) semaphore(%run_scoped3A_33 : memref<!tpu.dma_semaphore, #tpu.memory_space<semaphore_mem>>) {add = true}
      %dma_wait3A_40 = arith.constant 0 : i32
      %dma_wait3A_41 = tpu.memref_slice %arg8[%run_scoped3A_30, %dma_wait3A_40] : memref<50x128xi32, #tpu.memory_space<vmem>> -> memref<1x128xi32, #tpu.memory_space<vmem>>
      %dma_wait3A_42 = tpu.memref_squeeze %dma_wait3A_41 : memref<1x128xi32, #tpu.memory_space<vmem>> -> memref<128xi32, #tpu.memory_space<vmem>>
      %dma_wait3A_43 = arith.constant 0 : i32
      %dma_wait3A_44 = arith.constant 0 : i32
      %dma_wait3A_45 = tpu.memref_slice %arg11[%dma_wait3A_43, %dma_wait3A_44] : memref<2048x128xf32, #tpu.memory_space<vmem_shared>> -> memref<2048x128xf32, #tpu.memory_space<vmem_shared>>
      tpu.wait_indirect_dma semaphore(%run_scoped3A_33 : memref<!tpu.dma_semaphore, #tpu.memory_space<semaphore_mem>>) src(%arg10 : memref<128x128xf32, #tpu.memory_space<vmem>>) dst(%dma_wait3A_45 : memref<2048x128xf32, #tpu.memory_space<vmem_shared>>)
      tpu.yield
    }) : () -> ()
    %barrier3A = arith.constant 0 : index
    tpu.barrier barrier_id(%barrier3A)
    %mul3A_31 = arith.constant 128 : i32
    %mul3A_32 = arith.muli %add3A, %mul3A_31 : i32
    "tpu.region"() ({
      %run_scoped3A_33 = tpu.sem_alloc : memref<!tpu.dma_semaphore, #tpu.memory_space<semaphore_mem>>
      %dma_start3A_34 = arith.constant 0 : i32
      %dma_start3A_35 = tpu.memref_slice %arg6[%mul3A_32, %dma_start3A_34] : memref<4096x128xf32, #tpu.memory_space<hbm>> -> memref<128x128xf32, #tpu.memory_space<hbm>>
      %dma_start3A_36 = arith.constant 0 : i32
      %dma_start3A_37 = tpu.memref_slice %arg11[%mul3A_2, %dma_start3A_36] : memref<2048x128xf32, #tpu.memory_space<vmem_shared>> -> memref<128x128xf32, #tpu.memory_space<vmem_shared>>
      tpu.enqueue_dma source(%dma_start3A_37 : memref<128x128xf32, #tpu.memory_space<vmem_shared>>) target(%dma_start3A_35 : memref<128x128xf32, #tpu.memory_space<hbm>>) target_semaphore(%run_scoped3A_33 : memref<!tpu.dma_semaphore, #tpu.memory_space<semaphore_mem>>)
      %dma_wait3A_38 = arith.constant 0 : i32
      %dma_wait3A_39 = tpu.memref_slice %arg6[%mul3A_32, %dma_wait3A_38] : memref<4096x128xf32, #tpu.memory_space<hbm>> -> memref<128x128xf32, #tpu.memory_space<hbm>>
      %dma_wait3A_40 = arith.constant 0 : i32
      %dma_wait3A_41 = tpu.memref_slice %arg11[%mul3A_2, %dma_wait3A_40] : memref<2048x128xf32, #tpu.memory_space<vmem_shared>> -> memref<128x128xf32, #tpu.memory_space<vmem_shared>>
      tpu.wait_dma2 semaphore(%run_scoped3A_33 : memref<!tpu.dma_semaphore, #tpu.memory_space<semaphore_mem>>) src(%dma_wait3A_41 : memref<128x128xf32, #tpu.memory_space<vmem_shared>>) dst(%dma_wait3A_39 : memref<128x128xf32, #tpu.memory_space<hbm>>)
      tpu.yield
    }) : () -> ()
    return
  }
}

#map = affine_map<(d0, d1) -> (0)>
#map1 = affine_map<(d0, d1) -> (0, 0)>
#map2 = affine_map<(d0, d1) -> (0, 0, 0)>
module attributes {stable_mosaic.version = 14 : i64} {
  func.func @_pool_body(%arg0: i32, %arg1: i32, %arg2: memref<204800xi32, #tpu.memory_space<hbm>>, %arg3: memref<128x128xf32, #tpu.memory_space<hbm>>, %arg4: memref<16x50x128xi32, #tpu.memory_space<hbm>>, %arg5: memref<100002x128xf32, #tpu.memory_space<hbm>>, %arg6: memref<4096x128xf32, #tpu.memory_space<hbm>>, %arg7: memref<6400xi32, #tpu.memory_space<vmem>>, %arg8: memref<50x128xi32, #tpu.memory_space<vmem>>, %arg9: memref<128x128xf32, #tpu.memory_space<vmem>>, %arg10: memref<128x128xf32, #tpu.memory_space<vmem>>, %arg11: memref<2048x128xf32, #tpu.memory_space<vmem_shared>>, %arg12: memref<!tpu.dma_semaphore, #tpu.memory_space<semaphore_mem>>, %arg13: memref<!tpu.dma_semaphore, #tpu.memory_space<semaphore_mem>>) attributes {dimension_semantics = [#tpu.dimension_semantics<core_parallel>, #tpu.dimension_semantics<subcore_parallel>], iteration_bounds = array<i64: 2, 16>, scalar_prefetch = 0 : i64, scratch_operands = 7 : i64, tpu.core_type = #tpu.core_type<sc_vector_subcore>, window_params = [{transform_indices = #map}, {transform_indices = #map1}, {transform_indices = #map2}, {transform_indices = #map1}, {transform_indices = #map1}]} {
    %mul3A = arith.constant 2 : i32
    %mul3A_0 = arith.muli %arg1, %mul3A : i32
    %add3A = arith.addi %mul3A_0, %arg0 : i32
    %mul3A_1 = arith.constant 128 : i32
    %mul3A_2 = arith.muli %arg1, %mul3A_1 : i32
    "tpu.region"() ({
      %run_scoped3A_33 = tpu.sem_alloc : memref<!tpu.dma_semaphore, #tpu.memory_space<semaphore_mem>>
      %dma_start3A_34 = arith.constant 0 : i32
      %dma_start3A_35 = tpu.memref_slice %arg11[%mul3A_2, %dma_start3A_34] : memref<2048x128xf32, #tpu.memory_space<vmem_shared>> -> memref<128x128xf32, #tpu.memory_space<vmem_shared>>
      tpu.enqueue_dma source(%arg3 : memref<128x128xf32, #tpu.memory_space<hbm>>) target(%dma_start3A_35 : memref<128x128xf32, #tpu.memory_space<vmem_shared>>) target_semaphore(%run_scoped3A_33 : memref<!tpu.dma_semaphore, #tpu.memory_space<semaphore_mem>>)
      %dma_wait3A_36 = arith.constant 0 : i32
      %dma_wait3A_37 = tpu.memref_slice %arg11[%mul3A_2, %dma_wait3A_36] : memref<2048x128xf32, #tpu.memory_space<vmem_shared>> -> memref<128x128xf32, #tpu.memory_space<vmem_shared>>
      tpu.wait_dma2 semaphore(%run_scoped3A_33 : memref<!tpu.dma_semaphore, #tpu.memory_space<semaphore_mem>>) src(%arg3 : memref<128x128xf32, #tpu.memory_space<hbm>>) dst(%dma_wait3A_37 : memref<128x128xf32, #tpu.memory_space<vmem_shared>>)
      tpu.yield
    }) : () -> ()
    %mul3A_3 = arith.constant 50 : i32
    %mul3A_4 = arith.muli %add3A, %mul3A_3 : i32
    %mul3A_5 = arith.constant 128 : i32
    %mul3A_6 = arith.muli %mul3A_4, %mul3A_5 : i32
    "tpu.region"() ({
      %run_scoped3A_33 = tpu.sem_alloc : memref<!tpu.dma_semaphore, #tpu.memory_space<semaphore_mem>>
      %dma_start3A_34 = tpu.memref_slice %arg2[%mul3A_6] : memref<204800xi32, #tpu.memory_space<hbm>> -> memref<6400xi32, #tpu.memory_space<hbm>>
      %dma_start3A_35 = tpu.memref_slice %arg2[%mul3A_6] : memref<204800xi32, #tpu.memory_space<hbm>> -> memref<6400xi32, #tpu.memory_space<hbm>>
      tpu.enqueue_dma source(%dma_start3A_35 : memref<6400xi32, #tpu.memory_space<hbm>>) target(%arg7 : memref<6400xi32, #tpu.memory_space<vmem>>) target_semaphore(%run_scoped3A_33 : memref<!tpu.dma_semaphore, #tpu.memory_space<semaphore_mem>>)
      %dma_wait3A_36 = tpu.memref_slice %arg2[%mul3A_6] : memref<204800xi32, #tpu.memory_space<hbm>> -> memref<6400xi32, #tpu.memory_space<hbm>>
      %dma_wait3A_37 = tpu.memref_slice %arg2[%mul3A_6] : memref<204800xi32, #tpu.memory_space<hbm>> -> memref<6400xi32, #tpu.memory_space<hbm>>
      tpu.wait_dma2 semaphore(%run_scoped3A_33 : memref<!tpu.dma_semaphore, #tpu.memory_space<semaphore_mem>>) src(%dma_wait3A_37 : memref<6400xi32, #tpu.memory_space<hbm>>) dst(%arg7 : memref<6400xi32, #tpu.memory_space<vmem>>)
      tpu.yield
    }) : () -> ()
    "tpu.region"() ({
      %run_scoped3A_33 = tpu.sem_alloc : memref<!tpu.dma_semaphore, #tpu.memory_space<semaphore_mem>>
      %dma_start3A_34 = arith.constant 0 : i32
      %dma_start3A_35 = arith.constant 0 : i32
      %dma_start3A_36 = tpu.memref_slice %arg4[%arg1, %dma_start3A_34, %dma_start3A_35] : memref<16x50x128xi32, #tpu.memory_space<hbm>> -> memref<1x50x128xi32, #tpu.memory_space<hbm>>
      %dma_start3A_37 = tpu.memref_squeeze %dma_start3A_36 : memref<1x50x128xi32, #tpu.memory_space<hbm>> -> memref<50x128xi32, #tpu.memory_space<hbm>>
      %dma_start3A_38 = arith.constant 0 : i32
      %dma_start3A_39 = arith.constant 0 : i32
      %dma_start3A_40 = tpu.memref_slice %arg4[%arg1, %dma_start3A_38, %dma_start3A_39] : memref<16x50x128xi32, #tpu.memory_space<hbm>> -> memref<1x50x128xi32, #tpu.memory_space<hbm>>
      %dma_start3A_41 = tpu.memref_squeeze %dma_start3A_40 : memref<1x50x128xi32, #tpu.memory_space<hbm>> -> memref<50x128xi32, #tpu.memory_space<hbm>>
      tpu.enqueue_dma source(%dma_start3A_41 : memref<50x128xi32, #tpu.memory_space<hbm>>) target(%arg8 : memref<50x128xi32, #tpu.memory_space<vmem>>) target_semaphore(%run_scoped3A_33 : memref<!tpu.dma_semaphore, #tpu.memory_space<semaphore_mem>>)
      %dma_wait3A_42 = arith.constant 0 : i32
      %dma_wait3A_43 = arith.constant 0 : i32
      %dma_wait3A_44 = tpu.memref_slice %arg4[%arg1, %dma_wait3A_42, %dma_wait3A_43] : memref<16x50x128xi32, #tpu.memory_space<hbm>> -> memref<1x50x128xi32, #tpu.memory_space<hbm>>
      %dma_wait3A_45 = tpu.memref_squeeze %dma_wait3A_44 : memref<1x50x128xi32, #tpu.memory_space<hbm>> -> memref<50x128xi32, #tpu.memory_space<hbm>>
      %dma_wait3A_46 = arith.constant 0 : i32
      %dma_wait3A_47 = arith.constant 0 : i32
      %dma_wait3A_48 = tpu.memref_slice %arg4[%arg1, %dma_wait3A_46, %dma_wait3A_47] : memref<16x50x128xi32, #tpu.memory_space<hbm>> -> memref<1x50x128xi32, #tpu.memory_space<hbm>>
      %dma_wait3A_49 = tpu.memref_squeeze %dma_wait3A_48 : memref<1x50x128xi32, #tpu.memory_space<hbm>> -> memref<50x128xi32, #tpu.memory_space<hbm>>
      tpu.wait_dma2 semaphore(%run_scoped3A_33 : memref<!tpu.dma_semaphore, #tpu.memory_space<semaphore_mem>>) src(%dma_wait3A_49 : memref<50x128xi32, #tpu.memory_space<hbm>>) dst(%arg8 : memref<50x128xi32, #tpu.memory_space<vmem>>)
      tpu.yield
    }) : () -> ()
    %dma_start3A = arith.constant 0 : i32
    %dma_start3A_7 = tpu.memref_slice %arg7[%dma_start3A] : memref<6400xi32, #tpu.memory_space<vmem>> -> memref<128xi32, #tpu.memory_space<vmem>>
    %dma_start3A_8 = arith.constant 0 : i32
    %dma_start3A_9 = arith.constant 0 : i32
    %dma_start3A_10 = tpu.memref_slice %arg5[%dma_start3A_8, %dma_start3A_9] : memref<100002x128xf32, #tpu.memory_space<hbm>> -> memref<100002x128xf32, #tpu.memory_space<hbm>>
    tpu.enqueue_indirect_dma source(%dma_start3A_10 : memref<100002x128xf32, #tpu.memory_space<hbm>>) target(%arg9 : memref<128x128xf32, #tpu.memory_space<vmem>>) offsets(%dma_start3A_7 : memref<128xi32, #tpu.memory_space<vmem>>) semaphore(%arg12 : memref<!tpu.dma_semaphore, #tpu.memory_space<semaphore_mem>>)
    %dma_start3A_11 = arith.constant 128 : i32
    %dma_start3A_12 = tpu.memref_slice %arg7[%dma_start3A_11] : memref<6400xi32, #tpu.memory_space<vmem>> -> memref<128xi32, #tpu.memory_space<vmem>>
    %dma_start3A_13 = arith.constant 0 : i32
    %dma_start3A_14 = arith.constant 0 : i32
    %dma_start3A_15 = tpu.memref_slice %arg5[%dma_start3A_13, %dma_start3A_14] : memref<100002x128xf32, #tpu.memory_space<hbm>> -> memref<100002x128xf32, #tpu.memory_space<hbm>>
    tpu.enqueue_indirect_dma source(%dma_start3A_15 : memref<100002x128xf32, #tpu.memory_space<hbm>>) target(%arg10 : memref<128x128xf32, #tpu.memory_space<vmem>>) offsets(%dma_start3A_12 : memref<128xi32, #tpu.memory_space<vmem>>) semaphore(%arg13 : memref<!tpu.dma_semaphore, #tpu.memory_space<semaphore_mem>>)
    %scan3A = arith.constant 0 : i32
    %scan3A_16 = arith.constant 0 : i32
    %scan3A_17 = arith.constant 24 : i32
    %scan3A_18 = arith.addi %scan3A_16, %scan3A_17 : i32
    %scan3A_19 = arith.constant 1 : i32
    scf.for %scan3A_33 = %scan3A_16 to %scan3A_18 step %scan3A_19  : i32 {
      %mul3A_34 = arith.constant 2 : i32
      %mul3A_35 = arith.muli %mul3A_34, %scan3A_33 : i32
      %mul3A_36 = arith.constant 128 : i32
      %mul3A_37 = arith.muli %mul3A_35, %mul3A_36 : i32
      %dma_wait3A_38 = tpu.memref_slice %arg7[%mul3A_37] : memref<6400xi32, #tpu.memory_space<vmem>> -> memref<128xi32, #tpu.memory_space<vmem>>
      %dma_wait3A_39 = arith.constant 0 : i32
      %dma_wait3A_40 = arith.constant 0 : i32
      %dma_wait3A_41 = tpu.memref_slice %arg5[%dma_wait3A_39, %dma_wait3A_40] : memref<100002x128xf32, #tpu.memory_space<hbm>> -> memref<100002x128xf32, #tpu.memory_space<hbm>>
      tpu.wait_indirect_dma semaphore(%arg12 : memref<!tpu.dma_semaphore, #tpu.memory_space<semaphore_mem>>) src(%dma_wait3A_41 : memref<100002x128xf32, #tpu.memory_space<hbm>>) dst(%arg9 : memref<128x128xf32, #tpu.memory_space<vmem>>)
      "tpu.region"() ({
        %run_scoped3A_66 = tpu.sem_alloc : memref<!tpu.dma_semaphore, #tpu.memory_space<semaphore_mem>>
        %dma_start3A_67 = arith.constant 0 : i32
        %dma_start3A_68 = tpu.memref_slice %arg8[%mul3A_35, %dma_start3A_67] : memref<50x128xi32, #tpu.memory_space<vmem>> -> memref<1x128xi32, #tpu.memory_space<vmem>>
        %dma_start3A_69 = tpu.memref_squeeze %dma_start3A_68 : memref<1x128xi32, #tpu.memory_space<vmem>> -> memref<128xi32, #tpu.memory_space<vmem>>
        %dma_start3A_70 = arith.constant 0 : i32
        %dma_start3A_71 = arith.constant 0 : i32
        %dma_start3A_72 = tpu.memref_slice %arg11[%dma_start3A_70, %dma_start3A_71] : memref<2048x128xf32, #tpu.memory_space<vmem_shared>> -> memref<2048x128xf32, #tpu.memory_space<vmem_shared>>
        tpu.enqueue_indirect_dma source(%arg9 : memref<128x128xf32, #tpu.memory_space<vmem>>) target(%dma_start3A_72 : memref<2048x128xf32, #tpu.memory_space<vmem_shared>>) offsets(%dma_start3A_69 : memref<128xi32, #tpu.memory_space<vmem>>) semaphore(%run_scoped3A_66 : memref<!tpu.dma_semaphore, #tpu.memory_space<semaphore_mem>>) {add = true}
        %dma_wait3A_73 = arith.constant 0 : i32
        %dma_wait3A_74 = tpu.memref_slice %arg8[%mul3A_35, %dma_wait3A_73] : memref<50x128xi32, #tpu.memory_space<vmem>> -> memref<1x128xi32, #tpu.memory_space<vmem>>
        %dma_wait3A_75 = tpu.memref_squeeze %dma_wait3A_74 : memref<1x128xi32, #tpu.memory_space<vmem>> -> memref<128xi32, #tpu.memory_space<vmem>>
        %dma_wait3A_76 = arith.constant 0 : i32
        %dma_wait3A_77 = arith.constant 0 : i32
        %dma_wait3A_78 = tpu.memref_slice %arg11[%dma_wait3A_76, %dma_wait3A_77] : memref<2048x128xf32, #tpu.memory_space<vmem_shared>> -> memref<2048x128xf32, #tpu.memory_space<vmem_shared>>
        tpu.wait_indirect_dma semaphore(%run_scoped3A_66 : memref<!tpu.dma_semaphore, #tpu.memory_space<semaphore_mem>>) src(%arg9 : memref<128x128xf32, #tpu.memory_space<vmem>>) dst(%dma_wait3A_78 : memref<2048x128xf32, #tpu.memory_space<vmem_shared>>)
        tpu.yield
      }) : () -> ()
      %add3A_42 = arith.constant 2 : i32
      %add3A_43 = arith.addi %mul3A_35, %add3A_42 : i32
      %mul3A_44 = arith.constant 128 : i32
      %mul3A_45 = arith.muli %add3A_43, %mul3A_44 : i32
      %dma_start3A_46 = tpu.memref_slice %arg7[%mul3A_45] : memref<6400xi32, #tpu.memory_space<vmem>> -> memref<128xi32, #tpu.memory_space<vmem>>
      %dma_start3A_47 = arith.constant 0 : i32
      %dma_start3A_48 = arith.constant 0 : i32
      %dma_start3A_49 = tpu.memref_slice %arg5[%dma_start3A_47, %dma_start3A_48] : memref<100002x128xf32, #tpu.memory_space<hbm>> -> memref<100002x128xf32, #tpu.memory_space<hbm>>
      tpu.enqueue_indirect_dma source(%dma_start3A_49 : memref<100002x128xf32, #tpu.memory_space<hbm>>) target(%arg9 : memref<128x128xf32, #tpu.memory_space<vmem>>) offsets(%dma_start3A_46 : memref<128xi32, #tpu.memory_space<vmem>>) semaphore(%arg12 : memref<!tpu.dma_semaphore, #tpu.memory_space<semaphore_mem>>)
      %add3A_50 = arith.constant 1 : i32
      %add3A_51 = arith.addi %mul3A_35, %add3A_50 : i32
      %mul3A_52 = arith.constant 128 : i32
      %mul3A_53 = arith.muli %add3A_51, %mul3A_52 : i32
      %dma_wait3A_54 = tpu.memref_slice %arg7[%mul3A_53] : memref<6400xi32, #tpu.memory_space<vmem>> -> memref<128xi32, #tpu.memory_space<vmem>>
      %dma_wait3A_55 = arith.constant 0 : i32
      %dma_wait3A_56 = arith.constant 0 : i32
      %dma_wait3A_57 = tpu.memref_slice %arg5[%dma_wait3A_55, %dma_wait3A_56] : memref<100002x128xf32, #tpu.memory_space<hbm>> -> memref<100002x128xf32, #tpu.memory_space<hbm>>
      tpu.wait_indirect_dma semaphore(%arg13 : memref<!tpu.dma_semaphore, #tpu.memory_space<semaphore_mem>>) src(%dma_wait3A_57 : memref<100002x128xf32, #tpu.memory_space<hbm>>) dst(%arg10 : memref<128x128xf32, #tpu.memory_space<vmem>>)
      "tpu.region"() ({
        %run_scoped3A_66 = tpu.sem_alloc : memref<!tpu.dma_semaphore, #tpu.memory_space<semaphore_mem>>
        %dma_start3A_67 = arith.constant 0 : i32
        %dma_start3A_68 = tpu.memref_slice %arg8[%add3A_51, %dma_start3A_67] : memref<50x128xi32, #tpu.memory_space<vmem>> -> memref<1x128xi32, #tpu.memory_space<vmem>>
        %dma_start3A_69 = tpu.memref_squeeze %dma_start3A_68 : memref<1x128xi32, #tpu.memory_space<vmem>> -> memref<128xi32, #tpu.memory_space<vmem>>
        %dma_start3A_70 = arith.constant 0 : i32
        %dma_start3A_71 = arith.constant 0 : i32
        %dma_start3A_72 = tpu.memref_slice %arg11[%dma_start3A_70, %dma_start3A_71] : memref<2048x128xf32, #tpu.memory_space<vmem_shared>> -> memref<2048x128xf32, #tpu.memory_space<vmem_shared>>
        tpu.enqueue_indirect_dma source(%arg10 : memref<128x128xf32, #tpu.memory_space<vmem>>) target(%dma_start3A_72 : memref<2048x128xf32, #tpu.memory_space<vmem_shared>>) offsets(%dma_start3A_69 : memref<128xi32, #tpu.memory_space<vmem>>) semaphore(%run_scoped3A_66 : memref<!tpu.dma_semaphore, #tpu.memory_space<semaphore_mem>>) {add = true}
        %dma_wait3A_73 = arith.constant 0 : i32
        %dma_wait3A_74 = tpu.memref_slice %arg8[%add3A_51, %dma_wait3A_73] : memref<50x128xi32, #tpu.memory_space<vmem>> -> memref<1x128xi32, #tpu.memory_space<vmem>>
        %dma_wait3A_75 = tpu.memref_squeeze %dma_wait3A_74 : memref<1x128xi32, #tpu.memory_space<vmem>> -> memref<128xi32, #tpu.memory_space<vmem>>
        %dma_wait3A_76 = arith.constant 0 : i32
        %dma_wait3A_77 = arith.constant 0 : i32
        %dma_wait3A_78 = tpu.memref_slice %arg11[%dma_wait3A_76, %dma_wait3A_77] : memref<2048x128xf32, #tpu.memory_space<vmem_shared>> -> memref<2048x128xf32, #tpu.memory_space<vmem_shared>>
        tpu.wait_indirect_dma semaphore(%run_scoped3A_66 : memref<!tpu.dma_semaphore, #tpu.memory_space<semaphore_mem>>) src(%arg10 : memref<128x128xf32, #tpu.memory_space<vmem>>) dst(%dma_wait3A_78 : memref<2048x128xf32, #tpu.memory_space<vmem_shared>>)
        tpu.yield
      }) : () -> ()
      %add3A_58 = arith.constant 3 : i32
      %add3A_59 = arith.addi %mul3A_35, %add3A_58 : i32
      %mul3A_60 = arith.constant 128 : i32
      %mul3A_61 = arith.muli %add3A_59, %mul3A_60 : i32
      %dma_start3A_62 = tpu.memref_slice %arg7[%mul3A_61] : memref<6400xi32, #tpu.memory_space<vmem>> -> memref<128xi32, #tpu.memory_space<vmem>>
      %dma_start3A_63 = arith.constant 0 : i32
      %dma_start3A_64 = arith.constant 0 : i32
      %dma_start3A_65 = tpu.memref_slice %arg5[%dma_start3A_63, %dma_start3A_64] : memref<100002x128xf32, #tpu.memory_space<hbm>> -> memref<100002x128xf32, #tpu.memory_space<hbm>>
      tpu.enqueue_indirect_dma source(%dma_start3A_65 : memref<100002x128xf32, #tpu.memory_space<hbm>>) target(%arg10 : memref<128x128xf32, #tpu.memory_space<vmem>>) offsets(%dma_start3A_62 : memref<128xi32, #tpu.memory_space<vmem>>) semaphore(%arg13 : memref<!tpu.dma_semaphore, #tpu.memory_space<semaphore_mem>>)
    }
    %scan3A_20 = arith.constant 24 : i32
    %dma_wait3A = arith.constant 6144 : i32
    %dma_wait3A_21 = tpu.memref_slice %arg7[%dma_wait3A] : memref<6400xi32, #tpu.memory_space<vmem>> -> memref<128xi32, #tpu.memory_space<vmem>>
    %dma_wait3A_22 = arith.constant 0 : i32
    %dma_wait3A_23 = arith.constant 0 : i32
    %dma_wait3A_24 = tpu.memref_slice %arg5[%dma_wait3A_22, %dma_wait3A_23] : memref<100002x128xf32, #tpu.memory_space<hbm>> -> memref<100002x128xf32, #tpu.memory_space<hbm>>
    tpu.wait_indirect_dma semaphore(%arg12 : memref<!tpu.dma_semaphore, #tpu.memory_space<semaphore_mem>>) src(%dma_wait3A_24 : memref<100002x128xf32, #tpu.memory_space<hbm>>) dst(%arg9 : memref<128x128xf32, #tpu.memory_space<vmem>>)
    %run_scoped3A = arith.constant 48 : i32
    "tpu.region"() ({
      %run_scoped3A_33 = tpu.sem_alloc : memref<!tpu.dma_semaphore, #tpu.memory_space<semaphore_mem>>
      %dma_start3A_34 = arith.constant 0 : i32
      %dma_start3A_35 = tpu.memref_slice %arg8[%run_scoped3A, %dma_start3A_34] : memref<50x128xi32, #tpu.memory_space<vmem>> -> memref<1x128xi32, #tpu.memory_space<vmem>>
      %dma_start3A_36 = tpu.memref_squeeze %dma_start3A_35 : memref<1x128xi32, #tpu.memory_space<vmem>> -> memref<128xi32, #tpu.memory_space<vmem>>
      %dma_start3A_37 = arith.constant 0 : i32
      %dma_start3A_38 = arith.constant 0 : i32
      %dma_start3A_39 = tpu.memref_slice %arg11[%dma_start3A_37, %dma_start3A_38] : memref<2048x128xf32, #tpu.memory_space<vmem_shared>> -> memref<2048x128xf32, #tpu.memory_space<vmem_shared>>
      tpu.enqueue_indirect_dma source(%arg9 : memref<128x128xf32, #tpu.memory_space<vmem>>) target(%dma_start3A_39 : memref<2048x128xf32, #tpu.memory_space<vmem_shared>>) offsets(%dma_start3A_36 : memref<128xi32, #tpu.memory_space<vmem>>) semaphore(%run_scoped3A_33 : memref<!tpu.dma_semaphore, #tpu.memory_space<semaphore_mem>>) {add = true}
      %dma_wait3A_40 = arith.constant 0 : i32
      %dma_wait3A_41 = tpu.memref_slice %arg8[%run_scoped3A, %dma_wait3A_40] : memref<50x128xi32, #tpu.memory_space<vmem>> -> memref<1x128xi32, #tpu.memory_space<vmem>>
      %dma_wait3A_42 = tpu.memref_squeeze %dma_wait3A_41 : memref<1x128xi32, #tpu.memory_space<vmem>> -> memref<128xi32, #tpu.memory_space<vmem>>
      %dma_wait3A_43 = arith.constant 0 : i32
      %dma_wait3A_44 = arith.constant 0 : i32
      %dma_wait3A_45 = tpu.memref_slice %arg11[%dma_wait3A_43, %dma_wait3A_44] : memref<2048x128xf32, #tpu.memory_space<vmem_shared>> -> memref<2048x128xf32, #tpu.memory_space<vmem_shared>>
      tpu.wait_indirect_dma semaphore(%run_scoped3A_33 : memref<!tpu.dma_semaphore, #tpu.memory_space<semaphore_mem>>) src(%arg9 : memref<128x128xf32, #tpu.memory_space<vmem>>) dst(%dma_wait3A_45 : memref<2048x128xf32, #tpu.memory_space<vmem_shared>>)
      tpu.yield
    }) : () -> ()
    %dma_wait3A_25 = arith.constant 6272 : i32
    %dma_wait3A_26 = tpu.memref_slice %arg7[%dma_wait3A_25] : memref<6400xi32, #tpu.memory_space<vmem>> -> memref<128xi32, #tpu.memory_space<vmem>>
    %dma_wait3A_27 = arith.constant 0 : i32
    %dma_wait3A_28 = arith.constant 0 : i32
    %dma_wait3A_29 = tpu.memref_slice %arg5[%dma_wait3A_27, %dma_wait3A_28] : memref<100002x128xf32, #tpu.memory_space<hbm>> -> memref<100002x128xf32, #tpu.memory_space<hbm>>
    tpu.wait_indirect_dma semaphore(%arg13 : memref<!tpu.dma_semaphore, #tpu.memory_space<semaphore_mem>>) src(%dma_wait3A_29 : memref<100002x128xf32, #tpu.memory_space<hbm>>) dst(%arg10 : memref<128x128xf32, #tpu.memory_space<vmem>>)
    %run_scoped3A_30 = arith.constant 49 : i32
    "tpu.region"() ({
      %run_scoped3A_33 = tpu.sem_alloc : memref<!tpu.dma_semaphore, #tpu.memory_space<semaphore_mem>>
      %dma_start3A_34 = arith.constant 0 : i32
      %dma_start3A_35 = tpu.memref_slice %arg8[%run_scoped3A_30, %dma_start3A_34] : memref<50x128xi32, #tpu.memory_space<vmem>> -> memref<1x128xi32, #tpu.memory_space<vmem>>
      %dma_start3A_36 = tpu.memref_squeeze %dma_start3A_35 : memref<1x128xi32, #tpu.memory_space<vmem>> -> memref<128xi32, #tpu.memory_space<vmem>>
      %dma_start3A_37 = arith.constant 0 : i32
      %dma_start3A_38 = arith.constant 0 : i32
      %dma_start3A_39 = tpu.memref_slice %arg11[%dma_start3A_37, %dma_start3A_38] : memref<2048x128xf32, #tpu.memory_space<vmem_shared>> -> memref<2048x128xf32, #tpu.memory_space<vmem_shared>>
      tpu.enqueue_indirect_dma source(%arg10 : memref<128x128xf32, #tpu.memory_space<vmem>>) target(%dma_start3A_39 : memref<2048x128xf32, #tpu.memory_space<vmem_shared>>) offsets(%dma_start3A_36 : memref<128xi32, #tpu.memory_space<vmem>>) semaphore(%run_scoped3A_33 : memref<!tpu.dma_semaphore, #tpu.memory_space<semaphore_mem>>) {add = true}
      %dma_wait3A_40 = arith.constant 0 : i32
      %dma_wait3A_41 = tpu.memref_slice %arg8[%run_scoped3A_30, %dma_wait3A_40] : memref<50x128xi32, #tpu.memory_space<vmem>> -> memref<1x128xi32, #tpu.memory_space<vmem>>
      %dma_wait3A_42 = tpu.memref_squeeze %dma_wait3A_41 : memref<1x128xi32, #tpu.memory_space<vmem>> -> memref<128xi32, #tpu.memory_space<vmem>>
      %dma_wait3A_43 = arith.constant 0 : i32
      %dma_wait3A_44 = arith.constant 0 : i32
      %dma_wait3A_45 = tpu.memref_slice %arg11[%dma_wait3A_43, %dma_wait3A_44] : memref<2048x128xf32, #tpu.memory_space<vmem_shared>> -> memref<2048x128xf32, #tpu.memory_space<vmem_shared>>
      tpu.wait_indirect_dma semaphore(%run_scoped3A_33 : memref<!tpu.dma_semaphore, #tpu.memory_space<semaphore_mem>>) src(%arg10 : memref<128x128xf32, #tpu.memory_space<vmem>>) dst(%dma_wait3A_45 : memref<2048x128xf32, #tpu.memory_space<vmem_shared>>)
      tpu.yield
    }) : () -> ()
    %barrier3A = arith.constant 0 : index
    tpu.barrier barrier_id(%barrier3A)
    %mul3A_31 = arith.constant 128 : i32
    %mul3A_32 = arith.muli %add3A, %mul3A_31 : i32
    "tpu.region"() ({
      %run_scoped3A_33 = tpu.sem_alloc : memref<!tpu.dma_semaphore, #tpu.memory_space<semaphore_mem>>
      %dma_start3A_34 = arith.constant 0 : i32
      %dma_start3A_35 = tpu.memref_slice %arg6[%mul3A_32, %dma_start3A_34] : memref<4096x128xf32, #tpu.memory_space<hbm>> -> memref<128x128xf32, #tpu.memory_space<hbm>>
      %dma_start3A_36 = arith.constant 0 : i32
      %dma_start3A_37 = tpu.memref_slice %arg11[%mul3A_2, %dma_start3A_36] : memref<2048x128xf32, #tpu.memory_space<vmem_shared>> -> memref<128x128xf32, #tpu.memory_space<vmem_shared>>
      tpu.enqueue_dma source(%dma_start3A_37 : memref<128x128xf32, #tpu.memory_space<vmem_shared>>) target(%dma_start3A_35 : memref<128x128xf32, #tpu.memory_space<hbm>>) target_semaphore(%run_scoped3A_33 : memref<!tpu.dma_semaphore, #tpu.memory_space<semaphore_mem>>)
      %dma_wait3A_38 = arith.constant 0 : i32
      %dma_wait3A_39 = tpu.memref_slice %arg6[%mul3A_32, %dma_wait3A_38] : memref<4096x128xf32, #tpu.memory_space<hbm>> -> memref<128x128xf32, #tpu.memory_space<hbm>>
      %dma_wait3A_40 = arith.constant 0 : i32
      %dma_wait3A_41 = tpu.memref_slice %arg11[%mul3A_2, %dma_wait3A_40] : memref<2048x128xf32, #tpu.memory_space<vmem_shared>> -> memref<128x128xf32, #tpu.memory_space<vmem_shared>>
      tpu.wait_dma2 semaphore(%run_scoped3A_33 : memref<!tpu.dma_semaphore, #tpu.memory_space<semaphore_mem>>) src(%dma_wait3A_41 : memref<128x128xf32, #tpu.memory_space<vmem_shared>>) dst(%dma_wait3A_39 : memref<128x128xf32, #tpu.memory_space<hbm>>)
      tpu.yield
    }) : () -> ()
    return
  }
}

#map = affine_map<(d0, d1) -> (0)>
#map1 = affine_map<(d0, d1) -> (0, 0)>
#map2 = affine_map<(d0, d1) -> (0, 0, 0)>
module attributes {stable_mosaic.version = 14 : i64} {
  func.func @_pool_body(%arg0: i32, %arg1: i32, %arg2: memref<204800xi32, #tpu.memory_space<hbm>>, %arg3: memref<128x128xf32, #tpu.memory_space<hbm>>, %arg4: memref<16x50x128xi32, #tpu.memory_space<hbm>>, %arg5: memref<100002x128xf32, #tpu.memory_space<hbm>>, %arg6: memref<4096x128xf32, #tpu.memory_space<hbm>>, %arg7: memref<6400xi32, #tpu.memory_space<vmem>>, %arg8: memref<50x128xi32, #tpu.memory_space<vmem>>, %arg9: memref<128x128xf32, #tpu.memory_space<vmem>>, %arg10: memref<128x128xf32, #tpu.memory_space<vmem>>, %arg11: memref<2048x128xf32, #tpu.memory_space<vmem_shared>>, %arg12: memref<!tpu.dma_semaphore, #tpu.memory_space<semaphore_mem>>, %arg13: memref<!tpu.dma_semaphore, #tpu.memory_space<semaphore_mem>>) attributes {dimension_semantics = [#tpu.dimension_semantics<core_parallel>, #tpu.dimension_semantics<subcore_parallel>], iteration_bounds = array<i64: 2, 16>, scalar_prefetch = 0 : i64, scratch_operands = 7 : i64, tpu.core_type = #tpu.core_type<sc_vector_subcore>, window_params = [{transform_indices = #map}, {transform_indices = #map1}, {transform_indices = #map2}, {transform_indices = #map1}, {transform_indices = #map1}]} {
    %mul3A = arith.constant 2 : i32
    %mul3A_0 = arith.muli %arg1, %mul3A : i32
    %add3A = arith.addi %mul3A_0, %arg0 : i32
    %mul3A_1 = arith.constant 128 : i32
    %mul3A_2 = arith.muli %arg1, %mul3A_1 : i32
    "tpu.region"() ({
      %run_scoped3A_33 = tpu.sem_alloc : memref<!tpu.dma_semaphore, #tpu.memory_space<semaphore_mem>>
      %dma_start3A_34 = arith.constant 0 : i32
      %dma_start3A_35 = tpu.memref_slice %arg11[%mul3A_2, %dma_start3A_34] : memref<2048x128xf32, #tpu.memory_space<vmem_shared>> -> memref<128x128xf32, #tpu.memory_space<vmem_shared>>
      tpu.enqueue_dma source(%arg3 : memref<128x128xf32, #tpu.memory_space<hbm>>) target(%dma_start3A_35 : memref<128x128xf32, #tpu.memory_space<vmem_shared>>) target_semaphore(%run_scoped3A_33 : memref<!tpu.dma_semaphore, #tpu.memory_space<semaphore_mem>>)
      %dma_wait3A_36 = arith.constant 0 : i32
      %dma_wait3A_37 = tpu.memref_slice %arg11[%mul3A_2, %dma_wait3A_36] : memref<2048x128xf32, #tpu.memory_space<vmem_shared>> -> memref<128x128xf32, #tpu.memory_space<vmem_shared>>
      tpu.wait_dma2 semaphore(%run_scoped3A_33 : memref<!tpu.dma_semaphore, #tpu.memory_space<semaphore_mem>>) src(%arg3 : memref<128x128xf32, #tpu.memory_space<hbm>>) dst(%dma_wait3A_37 : memref<128x128xf32, #tpu.memory_space<vmem_shared>>)
      tpu.yield
    }) : () -> ()
    %mul3A_3 = arith.constant 50 : i32
    %mul3A_4 = arith.muli %add3A, %mul3A_3 : i32
    %mul3A_5 = arith.constant 128 : i32
    %mul3A_6 = arith.muli %mul3A_4, %mul3A_5 : i32
    "tpu.region"() ({
      %run_scoped3A_33 = tpu.sem_alloc : memref<!tpu.dma_semaphore, #tpu.memory_space<semaphore_mem>>
      %dma_start3A_34 = tpu.memref_slice %arg2[%mul3A_6] : memref<204800xi32, #tpu.memory_space<hbm>> -> memref<6400xi32, #tpu.memory_space<hbm>>
      %dma_start3A_35 = tpu.memref_slice %arg2[%mul3A_6] : memref<204800xi32, #tpu.memory_space<hbm>> -> memref<6400xi32, #tpu.memory_space<hbm>>
      tpu.enqueue_dma source(%dma_start3A_35 : memref<6400xi32, #tpu.memory_space<hbm>>) target(%arg7 : memref<6400xi32, #tpu.memory_space<vmem>>) target_semaphore(%run_scoped3A_33 : memref<!tpu.dma_semaphore, #tpu.memory_space<semaphore_mem>>)
      %dma_wait3A_36 = tpu.memref_slice %arg2[%mul3A_6] : memref<204800xi32, #tpu.memory_space<hbm>> -> memref<6400xi32, #tpu.memory_space<hbm>>
      %dma_wait3A_37 = tpu.memref_slice %arg2[%mul3A_6] : memref<204800xi32, #tpu.memory_space<hbm>> -> memref<6400xi32, #tpu.memory_space<hbm>>
      tpu.wait_dma2 semaphore(%run_scoped3A_33 : memref<!tpu.dma_semaphore, #tpu.memory_space<semaphore_mem>>) src(%dma_wait3A_37 : memref<6400xi32, #tpu.memory_space<hbm>>) dst(%arg7 : memref<6400xi32, #tpu.memory_space<vmem>>)
      tpu.yield
    }) : () -> ()
    "tpu.region"() ({
      %run_scoped3A_33 = tpu.sem_alloc : memref<!tpu.dma_semaphore, #tpu.memory_space<semaphore_mem>>
      %dma_start3A_34 = arith.constant 0 : i32
      %dma_start3A_35 = arith.constant 0 : i32
      %dma_start3A_36 = tpu.memref_slice %arg4[%arg1, %dma_start3A_34, %dma_start3A_35] : memref<16x50x128xi32, #tpu.memory_space<hbm>> -> memref<1x50x128xi32, #tpu.memory_space<hbm>>
      %dma_start3A_37 = tpu.memref_squeeze %dma_start3A_36 : memref<1x50x128xi32, #tpu.memory_space<hbm>> -> memref<50x128xi32, #tpu.memory_space<hbm>>
      %dma_start3A_38 = arith.constant 0 : i32
      %dma_start3A_39 = arith.constant 0 : i32
      %dma_start3A_40 = tpu.memref_slice %arg4[%arg1, %dma_start3A_38, %dma_start3A_39] : memref<16x50x128xi32, #tpu.memory_space<hbm>> -> memref<1x50x128xi32, #tpu.memory_space<hbm>>
      %dma_start3A_41 = tpu.memref_squeeze %dma_start3A_40 : memref<1x50x128xi32, #tpu.memory_space<hbm>> -> memref<50x128xi32, #tpu.memory_space<hbm>>
      tpu.enqueue_dma source(%dma_start3A_41 : memref<50x128xi32, #tpu.memory_space<hbm>>) target(%arg8 : memref<50x128xi32, #tpu.memory_space<vmem>>) target_semaphore(%run_scoped3A_33 : memref<!tpu.dma_semaphore, #tpu.memory_space<semaphore_mem>>)
      %dma_wait3A_42 = arith.constant 0 : i32
      %dma_wait3A_43 = arith.constant 0 : i32
      %dma_wait3A_44 = tpu.memref_slice %arg4[%arg1, %dma_wait3A_42, %dma_wait3A_43] : memref<16x50x128xi32, #tpu.memory_space<hbm>> -> memref<1x50x128xi32, #tpu.memory_space<hbm>>
      %dma_wait3A_45 = tpu.memref_squeeze %dma_wait3A_44 : memref<1x50x128xi32, #tpu.memory_space<hbm>> -> memref<50x128xi32, #tpu.memory_space<hbm>>
      %dma_wait3A_46 = arith.constant 0 : i32
      %dma_wait3A_47 = arith.constant 0 : i32
      %dma_wait3A_48 = tpu.memref_slice %arg4[%arg1, %dma_wait3A_46, %dma_wait3A_47] : memref<16x50x128xi32, #tpu.memory_space<hbm>> -> memref<1x50x128xi32, #tpu.memory_space<hbm>>
      %dma_wait3A_49 = tpu.memref_squeeze %dma_wait3A_48 : memref<1x50x128xi32, #tpu.memory_space<hbm>> -> memref<50x128xi32, #tpu.memory_space<hbm>>
      tpu.wait_dma2 semaphore(%run_scoped3A_33 : memref<!tpu.dma_semaphore, #tpu.memory_space<semaphore_mem>>) src(%dma_wait3A_49 : memref<50x128xi32, #tpu.memory_space<hbm>>) dst(%arg8 : memref<50x128xi32, #tpu.memory_space<vmem>>)
      tpu.yield
    }) : () -> ()
    %dma_start3A = arith.constant 0 : i32
    %dma_start3A_7 = tpu.memref_slice %arg7[%dma_start3A] : memref<6400xi32, #tpu.memory_space<vmem>> -> memref<128xi32, #tpu.memory_space<vmem>>
    %dma_start3A_8 = arith.constant 0 : i32
    %dma_start3A_9 = arith.constant 0 : i32
    %dma_start3A_10 = tpu.memref_slice %arg5[%dma_start3A_8, %dma_start3A_9] : memref<100002x128xf32, #tpu.memory_space<hbm>> -> memref<100002x128xf32, #tpu.memory_space<hbm>>
    tpu.enqueue_indirect_dma source(%dma_start3A_10 : memref<100002x128xf32, #tpu.memory_space<hbm>>) target(%arg9 : memref<128x128xf32, #tpu.memory_space<vmem>>) offsets(%dma_start3A_7 : memref<128xi32, #tpu.memory_space<vmem>>) semaphore(%arg12 : memref<!tpu.dma_semaphore, #tpu.memory_space<semaphore_mem>>)
    %dma_start3A_11 = arith.constant 128 : i32
    %dma_start3A_12 = tpu.memref_slice %arg7[%dma_start3A_11] : memref<6400xi32, #tpu.memory_space<vmem>> -> memref<128xi32, #tpu.memory_space<vmem>>
    %dma_start3A_13 = arith.constant 0 : i32
    %dma_start3A_14 = arith.constant 0 : i32
    %dma_start3A_15 = tpu.memref_slice %arg5[%dma_start3A_13, %dma_start3A_14] : memref<100002x128xf32, #tpu.memory_space<hbm>> -> memref<100002x128xf32, #tpu.memory_space<hbm>>
    tpu.enqueue_indirect_dma source(%dma_start3A_15 : memref<100002x128xf32, #tpu.memory_space<hbm>>) target(%arg10 : memref<128x128xf32, #tpu.memory_space<vmem>>) offsets(%dma_start3A_12 : memref<128xi32, #tpu.memory_space<vmem>>) semaphore(%arg13 : memref<!tpu.dma_semaphore, #tpu.memory_space<semaphore_mem>>)
    %scan3A = arith.constant 0 : i32
    %scan3A_16 = arith.constant 0 : i32
    %scan3A_17 = arith.constant 24 : i32
    %scan3A_18 = arith.addi %scan3A_16, %scan3A_17 : i32
    %scan3A_19 = arith.constant 1 : i32
    scf.for %scan3A_33 = %scan3A_16 to %scan3A_18 step %scan3A_19  : i32 {
      %mul3A_34 = arith.constant 2 : i32
      %mul3A_35 = arith.muli %mul3A_34, %scan3A_33 : i32
      %mul3A_36 = arith.constant 128 : i32
      %mul3A_37 = arith.muli %mul3A_35, %mul3A_36 : i32
      %dma_wait3A_38 = tpu.memref_slice %arg7[%mul3A_37] : memref<6400xi32, #tpu.memory_space<vmem>> -> memref<128xi32, #tpu.memory_space<vmem>>
      %dma_wait3A_39 = arith.constant 0 : i32
      %dma_wait3A_40 = arith.constant 0 : i32
      %dma_wait3A_41 = tpu.memref_slice %arg5[%dma_wait3A_39, %dma_wait3A_40] : memref<100002x128xf32, #tpu.memory_space<hbm>> -> memref<100002x128xf32, #tpu.memory_space<hbm>>
      tpu.wait_indirect_dma semaphore(%arg12 : memref<!tpu.dma_semaphore, #tpu.memory_space<semaphore_mem>>) src(%dma_wait3A_41 : memref<100002x128xf32, #tpu.memory_space<hbm>>) dst(%arg9 : memref<128x128xf32, #tpu.memory_space<vmem>>)
      "tpu.region"() ({
        %run_scoped3A_66 = tpu.sem_alloc : memref<!tpu.dma_semaphore, #tpu.memory_space<semaphore_mem>>
        %dma_start3A_67 = arith.constant 0 : i32
        %dma_start3A_68 = tpu.memref_slice %arg8[%mul3A_35, %dma_start3A_67] : memref<50x128xi32, #tpu.memory_space<vmem>> -> memref<1x128xi32, #tpu.memory_space<vmem>>
        %dma_start3A_69 = tpu.memref_squeeze %dma_start3A_68 : memref<1x128xi32, #tpu.memory_space<vmem>> -> memref<128xi32, #tpu.memory_space<vmem>>
        %dma_start3A_70 = arith.constant 0 : i32
        %dma_start3A_71 = arith.constant 0 : i32
        %dma_start3A_72 = tpu.memref_slice %arg11[%dma_start3A_70, %dma_start3A_71] : memref<2048x128xf32, #tpu.memory_space<vmem_shared>> -> memref<2048x128xf32, #tpu.memory_space<vmem_shared>>
        tpu.enqueue_indirect_dma source(%arg9 : memref<128x128xf32, #tpu.memory_space<vmem>>) target(%dma_start3A_72 : memref<2048x128xf32, #tpu.memory_space<vmem_shared>>) offsets(%dma_start3A_69 : memref<128xi32, #tpu.memory_space<vmem>>) semaphore(%run_scoped3A_66 : memref<!tpu.dma_semaphore, #tpu.memory_space<semaphore_mem>>) {add = true}
        %dma_wait3A_73 = arith.constant 0 : i32
        %dma_wait3A_74 = tpu.memref_slice %arg8[%mul3A_35, %dma_wait3A_73] : memref<50x128xi32, #tpu.memory_space<vmem>> -> memref<1x128xi32, #tpu.memory_space<vmem>>
        %dma_wait3A_75 = tpu.memref_squeeze %dma_wait3A_74 : memref<1x128xi32, #tpu.memory_space<vmem>> -> memref<128xi32, #tpu.memory_space<vmem>>
        %dma_wait3A_76 = arith.constant 0 : i32
        %dma_wait3A_77 = arith.constant 0 : i32
        %dma_wait3A_78 = tpu.memref_slice %arg11[%dma_wait3A_76, %dma_wait3A_77] : memref<2048x128xf32, #tpu.memory_space<vmem_shared>> -> memref<2048x128xf32, #tpu.memory_space<vmem_shared>>
        tpu.wait_indirect_dma semaphore(%run_scoped3A_66 : memref<!tpu.dma_semaphore, #tpu.memory_space<semaphore_mem>>) src(%arg9 : memref<128x128xf32, #tpu.memory_space<vmem>>) dst(%dma_wait3A_78 : memref<2048x128xf32, #tpu.memory_space<vmem_shared>>)
        tpu.yield
      }) : () -> ()
      %add3A_42 = arith.constant 2 : i32
      %add3A_43 = arith.addi %mul3A_35, %add3A_42 : i32
      %mul3A_44 = arith.constant 128 : i32
      %mul3A_45 = arith.muli %add3A_43, %mul3A_44 : i32
      %dma_start3A_46 = tpu.memref_slice %arg7[%mul3A_45] : memref<6400xi32, #tpu.memory_space<vmem>> -> memref<128xi32, #tpu.memory_space<vmem>>
      %dma_start3A_47 = arith.constant 0 : i32
      %dma_start3A_48 = arith.constant 0 : i32
      %dma_start3A_49 = tpu.memref_slice %arg5[%dma_start3A_47, %dma_start3A_48] : memref<100002x128xf32, #tpu.memory_space<hbm>> -> memref<100002x128xf32, #tpu.memory_space<hbm>>
      tpu.enqueue_indirect_dma source(%dma_start3A_49 : memref<100002x128xf32, #tpu.memory_space<hbm>>) target(%arg9 : memref<128x128xf32, #tpu.memory_space<vmem>>) offsets(%dma_start3A_46 : memref<128xi32, #tpu.memory_space<vmem>>) semaphore(%arg12 : memref<!tpu.dma_semaphore, #tpu.memory_space<semaphore_mem>>)
      %add3A_50 = arith.constant 1 : i32
      %add3A_51 = arith.addi %mul3A_35, %add3A_50 : i32
      %mul3A_52 = arith.constant 128 : i32
      %mul3A_53 = arith.muli %add3A_51, %mul3A_52 : i32
      %dma_wait3A_54 = tpu.memref_slice %arg7[%mul3A_53] : memref<6400xi32, #tpu.memory_space<vmem>> -> memref<128xi32, #tpu.memory_space<vmem>>
      %dma_wait3A_55 = arith.constant 0 : i32
      %dma_wait3A_56 = arith.constant 0 : i32
      %dma_wait3A_57 = tpu.memref_slice %arg5[%dma_wait3A_55, %dma_wait3A_56] : memref<100002x128xf32, #tpu.memory_space<hbm>> -> memref<100002x128xf32, #tpu.memory_space<hbm>>
      tpu.wait_indirect_dma semaphore(%arg13 : memref<!tpu.dma_semaphore, #tpu.memory_space<semaphore_mem>>) src(%dma_wait3A_57 : memref<100002x128xf32, #tpu.memory_space<hbm>>) dst(%arg10 : memref<128x128xf32, #tpu.memory_space<vmem>>)
      "tpu.region"() ({
        %run_scoped3A_66 = tpu.sem_alloc : memref<!tpu.dma_semaphore, #tpu.memory_space<semaphore_mem>>
        %dma_start3A_67 = arith.constant 0 : i32
        %dma_start3A_68 = tpu.memref_slice %arg8[%add3A_51, %dma_start3A_67] : memref<50x128xi32, #tpu.memory_space<vmem>> -> memref<1x128xi32, #tpu.memory_space<vmem>>
        %dma_start3A_69 = tpu.memref_squeeze %dma_start3A_68 : memref<1x128xi32, #tpu.memory_space<vmem>> -> memref<128xi32, #tpu.memory_space<vmem>>
        %dma_start3A_70 = arith.constant 0 : i32
        %dma_start3A_71 = arith.constant 0 : i32
        %dma_start3A_72 = tpu.memref_slice %arg11[%dma_start3A_70, %dma_start3A_71] : memref<2048x128xf32, #tpu.memory_space<vmem_shared>> -> memref<2048x128xf32, #tpu.memory_space<vmem_shared>>
        tpu.enqueue_indirect_dma source(%arg10 : memref<128x128xf32, #tpu.memory_space<vmem>>) target(%dma_start3A_72 : memref<2048x128xf32, #tpu.memory_space<vmem_shared>>) offsets(%dma_start3A_69 : memref<128xi32, #tpu.memory_space<vmem>>) semaphore(%run_scoped3A_66 : memref<!tpu.dma_semaphore, #tpu.memory_space<semaphore_mem>>) {add = true}
        %dma_wait3A_73 = arith.constant 0 : i32
        %dma_wait3A_74 = tpu.memref_slice %arg8[%add3A_51, %dma_wait3A_73] : memref<50x128xi32, #tpu.memory_space<vmem>> -> memref<1x128xi32, #tpu.memory_space<vmem>>
        %dma_wait3A_75 = tpu.memref_squeeze %dma_wait3A_74 : memref<1x128xi32, #tpu.memory_space<vmem>> -> memref<128xi32, #tpu.memory_space<vmem>>
        %dma_wait3A_76 = arith.constant 0 : i32
        %dma_wait3A_77 = arith.constant 0 : i32
        %dma_wait3A_78 = tpu.memref_slice %arg11[%dma_wait3A_76, %dma_wait3A_77] : memref<2048x128xf32, #tpu.memory_space<vmem_shared>> -> memref<2048x128xf32, #tpu.memory_space<vmem_shared>>
        tpu.wait_indirect_dma semaphore(%run_scoped3A_66 : memref<!tpu.dma_semaphore, #tpu.memory_space<semaphore_mem>>) src(%arg10 : memref<128x128xf32, #tpu.memory_space<vmem>>) dst(%dma_wait3A_78 : memref<2048x128xf32, #tpu.memory_space<vmem_shared>>)
        tpu.yield
      }) : () -> ()
      %add3A_58 = arith.constant 3 : i32
      %add3A_59 = arith.addi %mul3A_35, %add3A_58 : i32
      %mul3A_60 = arith.constant 128 : i32
      %mul3A_61 = arith.muli %add3A_59, %mul3A_60 : i32
      %dma_start3A_62 = tpu.memref_slice %arg7[%mul3A_61] : memref<6400xi32, #tpu.memory_space<vmem>> -> memref<128xi32, #tpu.memory_space<vmem>>
      %dma_start3A_63 = arith.constant 0 : i32
      %dma_start3A_64 = arith.constant 0 : i32
      %dma_start3A_65 = tpu.memref_slice %arg5[%dma_start3A_63, %dma_start3A_64] : memref<100002x128xf32, #tpu.memory_space<hbm>> -> memref<100002x128xf32, #tpu.memory_space<hbm>>
      tpu.enqueue_indirect_dma source(%dma_start3A_65 : memref<100002x128xf32, #tpu.memory_space<hbm>>) target(%arg10 : memref<128x128xf32, #tpu.memory_space<vmem>>) offsets(%dma_start3A_62 : memref<128xi32, #tpu.memory_space<vmem>>) semaphore(%arg13 : memref<!tpu.dma_semaphore, #tpu.memory_space<semaphore_mem>>)
    }
    %scan3A_20 = arith.constant 24 : i32
    %dma_wait3A = arith.constant 6144 : i32
    %dma_wait3A_21 = tpu.memref_slice %arg7[%dma_wait3A] : memref<6400xi32, #tpu.memory_space<vmem>> -> memref<128xi32, #tpu.memory_space<vmem>>
    %dma_wait3A_22 = arith.constant 0 : i32
    %dma_wait3A_23 = arith.constant 0 : i32
    %dma_wait3A_24 = tpu.memref_slice %arg5[%dma_wait3A_22, %dma_wait3A_23] : memref<100002x128xf32, #tpu.memory_space<hbm>> -> memref<100002x128xf32, #tpu.memory_space<hbm>>
    tpu.wait_indirect_dma semaphore(%arg12 : memref<!tpu.dma_semaphore, #tpu.memory_space<semaphore_mem>>) src(%dma_wait3A_24 : memref<100002x128xf32, #tpu.memory_space<hbm>>) dst(%arg9 : memref<128x128xf32, #tpu.memory_space<vmem>>)
    %run_scoped3A = arith.constant 48 : i32
    "tpu.region"() ({
      %run_scoped3A_33 = tpu.sem_alloc : memref<!tpu.dma_semaphore, #tpu.memory_space<semaphore_mem>>
      %dma_start3A_34 = arith.constant 0 : i32
      %dma_start3A_35 = tpu.memref_slice %arg8[%run_scoped3A, %dma_start3A_34] : memref<50x128xi32, #tpu.memory_space<vmem>> -> memref<1x128xi32, #tpu.memory_space<vmem>>
      %dma_start3A_36 = tpu.memref_squeeze %dma_start3A_35 : memref<1x128xi32, #tpu.memory_space<vmem>> -> memref<128xi32, #tpu.memory_space<vmem>>
      %dma_start3A_37 = arith.constant 0 : i32
      %dma_start3A_38 = arith.constant 0 : i32
      %dma_start3A_39 = tpu.memref_slice %arg11[%dma_start3A_37, %dma_start3A_38] : memref<2048x128xf32, #tpu.memory_space<vmem_shared>> -> memref<2048x128xf32, #tpu.memory_space<vmem_shared>>
      tpu.enqueue_indirect_dma source(%arg9 : memref<128x128xf32, #tpu.memory_space<vmem>>) target(%dma_start3A_39 : memref<2048x128xf32, #tpu.memory_space<vmem_shared>>) offsets(%dma_start3A_36 : memref<128xi32, #tpu.memory_space<vmem>>) semaphore(%run_scoped3A_33 : memref<!tpu.dma_semaphore, #tpu.memory_space<semaphore_mem>>) {add = true}
      %dma_wait3A_40 = arith.constant 0 : i32
      %dma_wait3A_41 = tpu.memref_slice %arg8[%run_scoped3A, %dma_wait3A_40] : memref<50x128xi32, #tpu.memory_space<vmem>> -> memref<1x128xi32, #tpu.memory_space<vmem>>
      %dma_wait3A_42 = tpu.memref_squeeze %dma_wait3A_41 : memref<1x128xi32, #tpu.memory_space<vmem>> -> memref<128xi32, #tpu.memory_space<vmem>>
      %dma_wait3A_43 = arith.constant 0 : i32
      %dma_wait3A_44 = arith.constant 0 : i32
      %dma_wait3A_45 = tpu.memref_slice %arg11[%dma_wait3A_43, %dma_wait3A_44] : memref<2048x128xf32, #tpu.memory_space<vmem_shared>> -> memref<2048x128xf32, #tpu.memory_space<vmem_shared>>
      tpu.wait_indirect_dma semaphore(%run_scoped3A_33 : memref<!tpu.dma_semaphore, #tpu.memory_space<semaphore_mem>>) src(%arg9 : memref<128x128xf32, #tpu.memory_space<vmem>>) dst(%dma_wait3A_45 : memref<2048x128xf32, #tpu.memory_space<vmem_shared>>)
      tpu.yield
    }) : () -> ()
    %dma_wait3A_25 = arith.constant 6272 : i32
    %dma_wait3A_26 = tpu.memref_slice %arg7[%dma_wait3A_25] : memref<6400xi32, #tpu.memory_space<vmem>> -> memref<128xi32, #tpu.memory_space<vmem>>
    %dma_wait3A_27 = arith.constant 0 : i32
    %dma_wait3A_28 = arith.constant 0 : i32
    %dma_wait3A_29 = tpu.memref_slice %arg5[%dma_wait3A_27, %dma_wait3A_28] : memref<100002x128xf32, #tpu.memory_space<hbm>> -> memref<100002x128xf32, #tpu.memory_space<hbm>>
    tpu.wait_indirect_dma semaphore(%arg13 : memref<!tpu.dma_semaphore, #tpu.memory_space<semaphore_mem>>) src(%dma_wait3A_29 : memref<100002x128xf32, #tpu.memory_space<hbm>>) dst(%arg10 : memref<128x128xf32, #tpu.memory_space<vmem>>)
    %run_scoped3A_30 = arith.constant 49 : i32
    "tpu.region"() ({
      %run_scoped3A_33 = tpu.sem_alloc : memref<!tpu.dma_semaphore, #tpu.memory_space<semaphore_mem>>
      %dma_start3A_34 = arith.constant 0 : i32
      %dma_start3A_35 = tpu.memref_slice %arg8[%run_scoped3A_30, %dma_start3A_34] : memref<50x128xi32, #tpu.memory_space<vmem>> -> memref<1x128xi32, #tpu.memory_space<vmem>>
      %dma_start3A_36 = tpu.memref_squeeze %dma_start3A_35 : memref<1x128xi32, #tpu.memory_space<vmem>> -> memref<128xi32, #tpu.memory_space<vmem>>
      %dma_start3A_37 = arith.constant 0 : i32
      %dma_start3A_38 = arith.constant 0 : i32
      %dma_start3A_39 = tpu.memref_slice %arg11[%dma_start3A_37, %dma_start3A_38] : memref<2048x128xf32, #tpu.memory_space<vmem_shared>> -> memref<2048x128xf32, #tpu.memory_space<vmem_shared>>
      tpu.enqueue_indirect_dma source(%arg10 : memref<128x128xf32, #tpu.memory_space<vmem>>) target(%dma_start3A_39 : memref<2048x128xf32, #tpu.memory_space<vmem_shared>>) offsets(%dma_start3A_36 : memref<128xi32, #tpu.memory_space<vmem>>) semaphore(%run_scoped3A_33 : memref<!tpu.dma_semaphore, #tpu.memory_space<semaphore_mem>>) {add = true}
      %dma_wait3A_40 = arith.constant 0 : i32
      %dma_wait3A_41 = tpu.memref_slice %arg8[%run_scoped3A_30, %dma_wait3A_40] : memref<50x128xi32, #tpu.memory_space<vmem>> -> memref<1x128xi32, #tpu.memory_space<vmem>>
      %dma_wait3A_42 = tpu.memref_squeeze %dma_wait3A_41 : memref<1x128xi32, #tpu.memory_space<vmem>> -> memref<128xi32, #tpu.memory_space<vmem>>
      %dma_wait3A_43 = arith.constant 0 : i32
      %dma_wait3A_44 = arith.constant 0 : i32
      %dma_wait3A_45 = tpu.memref_slice %arg11[%dma_wait3A_43, %dma_wait3A_44] : memref<2048x128xf32, #tpu.memory_space<vmem_shared>> -> memref<2048x128xf32, #tpu.memory_space<vmem_shared>>
      tpu.wait_indirect_dma semaphore(%run_scoped3A_33 : memref<!tpu.dma_semaphore, #tpu.memory_space<semaphore_mem>>) src(%arg10 : memref<128x128xf32, #tpu.memory_space<vmem>>) dst(%dma_wait3A_45 : memref<2048x128xf32, #tpu.memory_space<vmem_shared>>)
      tpu.yield
    }) : () -> ()
    %barrier3A = arith.constant 0 : index
    tpu.barrier barrier_id(%barrier3A)
    %mul3A_31 = arith.constant 128 : i32
    %mul3A_32 = arith.muli %add3A, %mul3A_31 : i32
    "tpu.region"() ({
      %run_scoped3A_33 = tpu.sem_alloc : memref<!tpu.dma_semaphore, #tpu.memory_space<semaphore_mem>>
      %dma_start3A_34 = arith.constant 0 : i32
      %dma_start3A_35 = tpu.memref_slice %arg6[%mul3A_32, %dma_start3A_34] : memref<4096x128xf32, #tpu.memory_space<hbm>> -> memref<128x128xf32, #tpu.memory_space<hbm>>
      %dma_start3A_36 = arith.constant 0 : i32
      %dma_start3A_37 = tpu.memref_slice %arg11[%mul3A_2, %dma_start3A_36] : memref<2048x128xf32, #tpu.memory_space<vmem_shared>> -> memref<128x128xf32, #tpu.memory_space<vmem_shared>>
      tpu.enqueue_dma source(%dma_start3A_37 : memref<128x128xf32, #tpu.memory_space<vmem_shared>>) target(%dma_start3A_35 : memref<128x128xf32, #tpu.memory_space<hbm>>) target_semaphore(%run_scoped3A_33 : memref<!tpu.dma_semaphore, #tpu.memory_space<semaphore_mem>>)
      %dma_wait3A_38 = arith.constant 0 : i32
      %dma_wait3A_39 = tpu.memref_slice %arg6[%mul3A_32, %dma_wait3A_38] : memref<4096x128xf32, #tpu.memory_space<hbm>> -> memref<128x128xf32, #tpu.memory_space<hbm>>
      %dma_wait3A_40 = arith.constant 0 : i32
      %dma_wait3A_41 = tpu.memref_slice %arg11[%mul3A_2, %dma_wait3A_40] : memref<2048x128xf32, #tpu.memory_space<vmem_shared>> -> memref<128x128xf32, #tpu.memory_space<vmem_shared>>
      tpu.wait_dma2 semaphore(%run_scoped3A_33 : memref<!tpu.dma_semaphore, #tpu.memory_space<semaphore_mem>>) src(%dma_wait3A_41 : memref<128x128xf32, #tpu.memory_space<vmem_shared>>) dst(%dma_wait3A_39 : memref<128x128xf32, #tpu.memory_space<hbm>>)
      tpu.yield
    }) : () -> ()
    return
  }
}

module attributes {stable_mosaic.version = 14 : i64} {
  func.func @_mlp_body(%arg0: i32, %arg1: memref<512x128xf32, #tpu.memory_space<vmem>>, %arg2: memref<512x128xf32, #tpu.memory_space<vmem>>, %arg3: memref<512x128xf32, #tpu.memory_space<vmem>>, %arg4: memref<128x300xf32, #tpu.memory_space<vmem>>, %arg5: memref<128x300xf32, #tpu.memory_space<vmem>>, %arg6: memref<128x300xf32, #tpu.memory_space<vmem>>, %arg7: memref<1x300xf32, #tpu.memory_space<vmem>>, %arg8: memref<300x300xf32, #tpu.memory_space<vmem>>, %arg9: memref<1x300xf32, #tpu.memory_space<vmem>>, %arg10: memref<300x300xf32, #tpu.memory_space<vmem>>, %arg11: memref<1x300xf32, #tpu.memory_space<vmem>>, %arg12: memref<512x300xf32, #tpu.memory_space<vmem>>) attributes {dimension_semantics = [#tpu.dimension_semantics<arbitrary>], iteration_bounds = array<i64: 8>, scalar_prefetch = 0 : i64, scratch_operands = 0 : i64, tpu.core_type = #tpu.core_type<tc>, window_params = [{transform_indices = @transform_0, window_bounds = array<i64: 512, 128>}, {transform_indices = @transform_1, window_bounds = array<i64: 512, 128>}, {transform_indices = @transform_2, window_bounds = array<i64: 512, 128>}, {pipeline_mode = #tpu.pipeline_mode<synchronous>, transform_indices = @transform_3, window_bounds = array<i64: 128, 300>}, {pipeline_mode = #tpu.pipeline_mode<synchronous>, transform_indices = @transform_4, window_bounds = array<i64: 128, 300>}, {pipeline_mode = #tpu.pipeline_mode<synchronous>, transform_indices = @transform_5, window_bounds = array<i64: 128, 300>}, {pipeline_mode = #tpu.pipeline_mode<synchronous>, transform_indices = @transform_6, window_bounds = array<i64: 1, 300>}, {pipeline_mode = #tpu.pipeline_mode<synchronous>, transform_indices = @transform_7, window_bounds = array<i64: 300, 300>}, {pipeline_mode = #tpu.pipeline_mode<synchronous>, transform_indices = @transform_8, window_bounds = array<i64: 1, 300>}, {pipeline_mode = #tpu.pipeline_mode<synchronous>, transform_indices = @transform_9, window_bounds = array<i64: 300, 300>}, {pipeline_mode = #tpu.pipeline_mode<synchronous>, transform_indices = @transform_10, window_bounds = array<i64: 1, 300>}, {transform_indices = @transform_11, window_bounds = array<i64: 512, 300>}]} {
    %get3A = arith.constant 0 : index
    %get3A_0 = arith.constant 0 : index
    %get3A_1 = vector.load %arg1[%get3A, %get3A_0] : memref<512x128xf32, #tpu.memory_space<vmem>>, vector<512x128xf32>
    %get3A_2 = arith.constant 0 : index
    %get3A_3 = arith.constant 0 : index
    %get3A_4 = vector.load %arg4[%get3A_2, %get3A_3] : memref<128x300xf32, #tpu.memory_space<vmem>>, vector<128x300xf32>
    %dot_general3A = arith.constant dense<0.000000e+00> : vector<512x300xf32>
    %dot_general3A_5 = tpu.matmul %get3A_1, %get3A_4, %dot_general3A {dimension_numbers = #tpu.dot_dimension_numbers<[1], [0], [0], [1], [0, 0, 1, 1], [], []>, transpose_lhs_hint = false} : vector<512x128xf32>, vector<128x300xf32>, vector<512x300xf32> -> vector<512x300xf32>
    %get3A_6 = arith.constant 0 : index
    %get3A_7 = arith.constant 0 : index
    %get3A_8 = vector.load %arg2[%get3A_6, %get3A_7] : memref<512x128xf32, #tpu.memory_space<vmem>>, vector<512x128xf32>
    %get3A_9 = arith.constant 0 : index
    %get3A_10 = arith.constant 0 : index
    %get3A_11 = vector.load %arg5[%get3A_9, %get3A_10] : memref<128x300xf32, #tpu.memory_space<vmem>>, vector<128x300xf32>
    %dot_general3A_12 = arith.constant dense<0.000000e+00> : vector<512x300xf32>
    %dot_general3A_13 = tpu.matmul %get3A_8, %get3A_11, %dot_general3A_12 {dimension_numbers = #tpu.dot_dimension_numbers<[1], [0], [0], [1], [0, 0, 1, 1], [], []>, transpose_lhs_hint = false} : vector<512x128xf32>, vector<128x300xf32>, vector<512x300xf32> -> vector<512x300xf32>
    %add3A = arith.addf %dot_general3A_5, %dot_general3A_13 : vector<512x300xf32>
    %get3A_14 = arith.constant 0 : index
    %get3A_15 = arith.constant 0 : index
    %get3A_16 = vector.load %arg3[%get3A_14, %get3A_15] : memref<512x128xf32, #tpu.memory_space<vmem>>, vector<512x128xf32>
    %get3A_17 = arith.constant 0 : index
    %get3A_18 = arith.constant 0 : index
    %get3A_19 = vector.load %arg6[%get3A_17, %get3A_18] : memref<128x300xf32, #tpu.memory_space<vmem>>, vector<128x300xf32>
    %dot_general3A_20 = arith.constant dense<0.000000e+00> : vector<512x300xf32>
    %dot_general3A_21 = tpu.matmul %get3A_16, %get3A_19, %dot_general3A_20 {dimension_numbers = #tpu.dot_dimension_numbers<[1], [0], [0], [1], [0, 0, 1, 1], [], []>, transpose_lhs_hint = false} : vector<512x128xf32>, vector<128x300xf32>, vector<512x300xf32> -> vector<512x300xf32>
    %add3A_22 = arith.addf %add3A, %dot_general3A_21 : vector<512x300xf32>
    %mul3A = arith.constant 2.000000e-02 : f32
    %mul3A_23 = vector.broadcast %mul3A : f32 to vector<512x300xf32>
    %mul3A_24 = arith.mulf %add3A_22, %mul3A_23 : vector<512x300xf32>
    %get3A_25 = arith.constant 0 : index
    %get3A_26 = arith.constant 0 : index
    %get3A_27 = vector.load %arg7[%get3A_25, %get3A_26] : memref<1x300xf32, #tpu.memory_space<vmem>>, vector<1x300xf32>
    %add3A_28 = vector.broadcast %get3A_27 : vector<1x300xf32> to vector<512x300xf32>
    %add3A_29 = arith.addf %mul3A_24, %add3A_28 : vector<512x300xf32>
    %ge3A = arith.constant 0.000000e+00 : f32
    %ge3A_30 = vector.broadcast %ge3A : f32 to vector<512x300xf32>
    %ge3A_31 = arith.cmpf oge, %add3A_29, %ge3A_30 : vector<512x300xf32>
    %mul3A_32 = arith.constant 0.00999999977 : f32
    %mul3A_33 = vector.broadcast %mul3A_32 : f32 to vector<512x300xf32>
    %mul3A_34 = arith.mulf %mul3A_33, %add3A_29 : vector<512x300xf32>
    %select_n3A = arith.select %ge3A_31, %add3A_29, %mul3A_34 : vector<512x300xi1>, vector<512x300xf32>
    %get3A_35 = arith.constant 0 : index
    %get3A_36 = arith.constant 0 : index
    %get3A_37 = vector.load %arg8[%get3A_35, %get3A_36] : memref<300x300xf32, #tpu.memory_space<vmem>>, vector<300x300xf32>
    %dot_general3A_38 = arith.constant dense<0.000000e+00> : vector<512x300xf32>
    %dot_general3A_39 = tpu.matmul %select_n3A, %get3A_37, %dot_general3A_38 {dimension_numbers = #tpu.dot_dimension_numbers<[1], [0], [0], [1], [0, 0, 1, 1], [], []>, transpose_lhs_hint = false} : vector<512x300xf32>, vector<300x300xf32>, vector<512x300xf32> -> vector<512x300xf32>
    %get3A_40 = arith.constant 0 : index
    %get3A_41 = arith.constant 0 : index
    %get3A_42 = vector.load %arg9[%get3A_40, %get3A_41] : memref<1x300xf32, #tpu.memory_space<vmem>>, vector<1x300xf32>
    %add3A_43 = vector.broadcast %get3A_42 : vector<1x300xf32> to vector<512x300xf32>
    %add3A_44 = arith.addf %dot_general3A_39, %add3A_43 : vector<512x300xf32>
    %ge3A_45 = arith.constant 0.000000e+00 : f32
    %ge3A_46 = vector.broadcast %ge3A_45 : f32 to vector<512x300xf32>
    %ge3A_47 = arith.cmpf oge, %add3A_44, %ge3A_46 : vector<512x300xf32>
    %mul3A_48 = arith.constant 0.00999999977 : f32
    %mul3A_49 = vector.broadcast %mul3A_48 : f32 to vector<512x300xf32>
    %mul3A_50 = arith.mulf %mul3A_49, %add3A_44 : vector<512x300xf32>
    %select_n3A_51 = arith.select %ge3A_47, %add3A_44, %mul3A_50 : vector<512x300xi1>, vector<512x300xf32>
    %get3A_52 = arith.constant 0 : index
    %get3A_53 = arith.constant 0 : index
    %get3A_54 = vector.load %arg10[%get3A_52, %get3A_53] : memref<300x300xf32, #tpu.memory_space<vmem>>, vector<300x300xf32>
    %dot_general3A_55 = arith.constant dense<0.000000e+00> : vector<512x300xf32>
    %dot_general3A_56 = tpu.matmul %select_n3A_51, %get3A_54, %dot_general3A_55 {dimension_numbers = #tpu.dot_dimension_numbers<[1], [0], [0], [1], [0, 0, 1, 1], [], []>, transpose_lhs_hint = false} : vector<512x300xf32>, vector<300x300xf32>, vector<512x300xf32> -> vector<512x300xf32>
    %get3A_57 = arith.constant 0 : index
    %get3A_58 = arith.constant 0 : index
    %get3A_59 = vector.load %arg11[%get3A_57, %get3A_58] : memref<1x300xf32, #tpu.memory_space<vmem>>, vector<1x300xf32>
    %add3A_60 = vector.broadcast %get3A_59 : vector<1x300xf32> to vector<512x300xf32>
    %add3A_61 = arith.addf %dot_general3A_56, %add3A_60 : vector<512x300xf32>
    %swap3A = arith.constant 0 : index
    %swap3A_62 = arith.constant 0 : index
    %swap3A_63 = vector.load %arg12[%swap3A, %swap3A_62] : memref<512x300xf32, #tpu.memory_space<vmem>>, vector<512x300xf32>
    tpu.vector_store %arg12[%swap3A, %swap3A_62], %add3A_61 {strides = array<i32>} : memref<512x300xf32, #tpu.memory_space<vmem>>, vector<512x300xf32>,
    return
  }
  func.func @transform_0(%arg0: i32) -> (i32, i32) {
    %c0_i32 = arith.constant 0 : i32
    %c0_i32_0 = arith.constant 0 : i32
    return %arg0, %c0_i32 : i32, i32
  }
  func.func @transform_1(%arg0: i32) -> (i32, i32) {
    %c0_i32 = arith.constant 0 : i32
    %c0_i32_0 = arith.constant 0 : i32
    return %arg0, %c0_i32 : i32, i32
  }
  func.func @transform_2(%arg0: i32) -> (i32, i32) {
    %c0_i32 = arith.constant 0 : i32
    %c0_i32_0 = arith.constant 0 : i32
    return %arg0, %c0_i32 : i32, i32
  }
  func.func @transform_3(%arg0: i32) -> (i32, i32) {
    %c0_i32 = arith.constant 0 : i32
    %c0_i32_0 = arith.constant 0 : i32
    %c0_i32_1 = arith.constant 0 : i32
    return %c0_i32, %c0_i32_0 : i32, i32
  }
  func.func @transform_4(%arg0: i32) -> (i32, i32) {
    %c0_i32 = arith.constant 0 : i32
    %c0_i32_0 = arith.constant 0 : i32
    %c0_i32_1 = arith.constant 0 : i32
    return %c0_i32, %c0_i32_0 : i32, i32
  }
  func.func @transform_5(%arg0: i32) -> (i32, i32) {
    %c0_i32 = arith.constant 0 : i32
    %c0_i32_0 = arith.constant 0 : i32
    %c0_i32_1 = arith.constant 0 : i32
    return %c0_i32, %c0_i32_0 : i32, i32
  }
  func.func @transform_6(%arg0: i32) -> (i32, i32) {
    %c0_i32 = arith.constant 0 : i32
    %c0_i32_0 = arith.constant 0 : i32
    %c0_i32_1 = arith.constant 0 : i32
    return %c0_i32, %c0_i32_0 : i32, i32
  }
  func.func @transform_7(%arg0: i32) -> (i32, i32) {
    %c0_i32 = arith.constant 0 : i32
    %c0_i32_0 = arith.constant 0 : i32
    %c0_i32_1 = arith.constant 0 : i32
    return %c0_i32, %c0_i32_0 : i32, i32
  }
  func.func @transform_8(%arg0: i32) -> (i32, i32) {
    %c0_i32 = arith.constant 0 : i32
    %c0_i32_0 = arith.constant 0 : i32
    %c0_i32_1 = arith.constant 0 : i32
    return %c0_i32, %c0_i32_0 : i32, i32
  }
  func.func @transform_9(%arg0: i32) -> (i32, i32) {
    %c0_i32 = arith.constant 0 : i32
    %c0_i32_0 = arith.constant 0 : i32
    %c0_i32_1 = arith.constant 0 : i32
    return %c0_i32, %c0_i32_0 : i32, i32
  }
  func.func @transform_10(%arg0: i32) -> (i32, i32) {
    %c0_i32 = arith.constant 0 : i32
    %c0_i32_0 = arith.constant 0 : i32
    %c0_i32_1 = arith.constant 0 : i32
    return %c0_i32, %c0_i32_0 : i32, i32
  }
  func.func @transform_11(%arg0: i32) -> (i32, i32) {
    %c0_i32 = arith.constant 0 : i32
    %c0_i32_0 = arith.constant 0 : i32
    return %arg0, %c0_i32 : i32, i32
  }
}

</mosaic_0001>

<sc_bundles>
// kernel: kernel.12.cloned.1.call-start
scs
__scs_entry_jumppad:
0x0: {  	(pc) =	sbr.rel $0x88, $3  }
0x1: {  	(tag) =	ssettag $0x0;
	lr =	simm.s32 $0x1  }
0x2: {  	[smem:$0x3F99] =	sst lr;
	_ =	strace $0xD0000000  }
0x3: {  	_ = 	snop  }
0x4: {  	_ = 	snop  }
0x5: {  	_ = 	snop  }
0x6: {  	_ = 	snop  }
0x7: {  	_ = 	snop  }
__scs_overlays_trampoline_lowered:
0x8: {  	[smem:$0x3FA8] =	sst s0  }
0x9: {  	[smem:$0x3FA9] =	sst s1  }
0xa: {  	[smem:$0x3FAA] =	sst s2  }
0xb: {  	[smem:$0x3FAB] =	sst s3  }
0xc: {  	[smem:$0x3FAC] =	sst s4  }
0xd: {  	[smem:$0x3FAD] =	sst s5  }
0xe: {  	[smem:$0x3FAE] =	sst s6  }
0xf: {  	[smem:$0x3FAF] =	sst s7  }
0x10: {  	[smem:$0x3FB0] =	sst s8  }
0x11: {  	[smem:$0x3FB1] =	sst s9;
	s0 =	simm.s32 @!p0 $0x0  }
0x12: {  	s1 =	sld [smem:$0x3F97];
	s0 =	simm.s32 @p0 $0x1  }
0x13: {  	[smem:$0x3FB2] =	sst s0;
	s0 =	simm.s32 @!p1 $0x0  }
0x14: {  	s2 =	sld [smem:$0x3F96];
	s0 =	simm.s32 @p1 $0x1  }
0x15: {  	[smem:$0x3FB3] =	sst s0;
	s0 =	simm.s32 @!p2 $0x0  }
0x16: {  	s3 =	sld [smem:$0x3FDB];
	s0 =	simm.s32 @p2 $0x1  }
0x17: {  	s4 =	simm.s32 $0x1BF5;
	[smem:$0x3FB5] =	sst s0  }
0x18: {  	s0 =	sld [smem:$0x3F98];
	_ =	swait.ge [sflag:s4], $0x0  }
0x19: {  	s7 =	sld [smem:$0x3F99]  }
0x1a: {  	s8 =	sadd.s32 $0xFFFFE003, lr  }
0x1b: {  	s9 =	sadd.s32 $0xFFFFFEF7, lr;
	s5 =	simm.s32 $0xFFFFFFFF;
	p2 =	slt.u32 s8, $0xFFFFF086  }
0x1c: {  	p1 =	slt.u32 s9, $0xF7A;
	s5 =	simm.s32 @!p2 $0x0  }
0x1d: {  	s5 =	simm.s32 @p1 $0x1;
	p0 =	seq.s32 s7, s2  }
0x1e: {  	s7 =	smul.u32 @!p0 $0xF7A, s2;
	p2 =	seq.s32 @!p0 s5, $0x0  }
0x1f: {  	s9 =	smul.u32 $0xF7A, s1;
	s8 =	simm.s32 @!p0 $0x1BF5;
	p2 =	por !p2, p0  }
0x20: {  	[sflag:s8] =	ssyncset.s32 @!p0 $0xFFFFF086;
	s6 =	sadd.s32 @!p0 s3, s7;
	s7 =	simm.s32 @!p0 $0x108  }
0x21: {  	s3 =	sadd.s32 s3, s9;
	s6 =	sadd.s32 @!p0 $0x88, s6;
	s7 =	simm.s32 @p2 $0x1082  }
0x22: {  	[simem:s7], [sflag:s8] =	dma.local @!p0 [hbm:s6], $0xF7A  }
0x23: {  	s9 =	sor.u32 $0xD0000000, s2;
	s6 =	simm.s32 $0x108;
	_ =	swait.ge @!p0 [sflag:s8], $0x0  }
0x24: {  	s3 =	sadd.s32 $0x88, s3;
	s6 =	simm.s32 @!p1 $0x1082;
	[sflag:s4] =	ssyncset.s32 $0xFFFFF086  }
0x25: {  	[simem:s6], [sflag:s4] =	dma.local [hbm:s3], $0xF7A  }
0x26: {  	[smem:$0x3F99] =	sst s1;
	(tag) =	ssettag s2;
	_ =	strace s9  }
0x27: {  	s1 =	sld [smem:$0x3FA9]  }
0x28: {  	s2 =	sld [smem:$0x3FAA]  }
0x29: {  	s4 =	sld [smem:$0x3FAC]  }
0x2a: {  	p0 =	seq.s32 s5, $0x0;
	s5 =	sld [smem:$0x3FAD]  }
0x2b: {  	s6 =	sld [smem:$0x3FAE]  }
0x2c: {  	s7 =	sld [smem:$0x3FAF]  }
0x2d: {  	s3 =	simm.s32 $0x108;
	s8 =	sld [smem:$0x3FB0]  }
0x2e: {  	s3 =	simm.s32 @!p0 $0x1082;
	s9 =	sld [smem:$0x3FB1]  }
0x2f: {  	lr =	sadd.s32 s0, s3;
	s0 =	sld [smem:$0x3FA8]  }
0x30: {  	s3 =	sld [smem:$0x3FAB]  }
0x31: {  	[smem:$0x3FB4] =	sst s10  }
0x32: {  	s10 =	sld [smem:$0x3FB2];
	_ =	sdelay $0x3  }
0x33: {  	p0 =	seq.s32 s10, $0x1;
	s10 =	sld [smem:$0x3FB4];
	_ =	sdelay $0x3  }
0x34: {  	[smem:$0x3FB4] =	sst s10  }
0x35: {  	s10 =	sld [smem:$0x3FB3];
	_ =	sdelay $0x3  }
0x36: {  	p1 =	seq.s32 s10, $0x1;
	s10 =	sld [smem:$0x3FB4];
	_ =	sdelay $0x3  }
0x37: {  	[smem:$0x3FB4] =	sst s10  }
0x38: {  	s10 =	sld [smem:$0x3FB5]  }
0x39: {  	_ = 	snop;
	(pc) =	sbr.ind lr, $3  }
0x3a: {  	_ = 	snop  }
0x3b: {  	_ = 	snop  }
0x3c: {  	p2 =	seq.s32 s10, $0x1;
	s10 =	sld [smem:$0x3FB4]  }
0x3d: {  	_ =	shalt  }
0x3e: {  	_ =	shalt  }
0x3f: {  	_ =	shalt  }
0x40: {  	_ =	shalt  }
0x41: {  	_ =	shalt  }
0x42: {  	_ =	shalt  }
0x43: {  	_ =	shalt  }
0x44: {  	_ =	shalt  }
0x45: {  	_ =	shalt  }
0x46: {  	_ =	shalt  }
0x47: {  	_ =	shalt  }
0x48: {  	_ =	shalt  }
0x49: {  	_ =	shalt  }
0x4a: {  	_ =	shalt  }
0x4b: {  	_ =	shalt  }
0x4c: {  	_ =	shalt  }
0x4d: {  	_ =	shalt  }
0x4e: {  	_ =	shalt  }
0x4f: {  	_ =	shalt  }
0x50: {  	_ =	shalt  }
0x51: {  	_ =	shalt  }
0x52: {  	_ =	shalt  }
0x53: {  	_ =	shalt  }
0x54: {  	_ =	shalt  }
0x55: {  	_ =	shalt  }
0x56: {  	_ =	shalt  }
0x57: {  	_ =	shalt  }
0x58: {  	_ =	shalt  }
0x59: {  	_ =	shalt  }
0x5a: {  	_ =	shalt  }
0x5b: {  	_ =	shalt  }
0x5c: {  	_ =	shalt  }
0x5d: {  	_ =	shalt  }
0x5e: {  	_ =	shalt  }
0x5f: {  	_ =	shalt  }
0x60: {  	_ =	shalt  }
0x61: {  	_ =	shalt  }
0x62: {  	_ =	shalt  }
0x63: {  	_ =	shalt  }
0x64: {  	_ =	shalt  }
0x65: {  	_ =	shalt  }
0x66: {  	_ =	shalt  }
0x67: {  	_ =	shalt  }
0x68: {  	_ =	shalt  }
0x69: {  	_ =	shalt  }
0x6a: {  	_ =	shalt  }
0x6b: {  	_ =	shalt  }
0x6c: {  	_ =	shalt  }
0x6d: {  	_ =	shalt  }
0x6e: {  	_ =	shalt  }
0x6f: {  	_ =	shalt  }
0x70: {  	_ =	shalt  }
0x71: {  	_ =	shalt  }
0x72: {  	_ =	shalt  }
0x73: {  	_ =	shalt  }
0x74: {  	_ =	shalt  }
0x75: {  	_ =	shalt  }
0x76: {  	_ =	shalt  }
0x77: {  	_ =	shalt  }
0x78: {  	_ =	shalt  }
0x79: {  	_ =	shalt  }
0x7a: {  	_ =	shalt  }
0x7b: {  	_ =	shalt  }
0x7c: {  	_ =	shalt  }
0x7d: {  	_ =	shalt  }
0x7e: {  	_ =	shalt  }
0x7f: {  	_ =	shalt  }
0x80: {  	_ =	shalt  }
0x81: {  	_ =	shalt  }
0x82: {  	_ =	shalt  }
0x83: {  	_ =	shalt  }
0x84: {  	_ =	shalt  }
0x85: {  	_ =	shalt  }
0x86: {  	_ =	shalt  }
0x87: {  	_ =	shalt  }
.Lfunc_end0:
.L_simem_size_0:
called_computation.2_lowered:
.L_overlay_start_0:
0x88: {  	s2 =	sld [smem:$0x3FD9]  }
0x89: {  	s3 =	sld [smem:$0x3FFE];
	_ =	sdelay $0x1  }
0x8a: {  	s1 =	srdreg.scid  }
0x8b: {  	s0 =	sand.u32 $0x1, s1  }
0x8c: {  	s16 =	sshll.u32 s0, $0xA;
	s2 =	sadd.s32 s3, s2  }
0x8d: {  	s2 =	sadd.s32 s2, s16  }
0x8e: {  	[smem:$0x3FC0] =	sst s2  }
0x8f: {  	_ = 	snop  }
0x90: {  	(tm) =	ssettm $0x1  }
0x91: {  	s17 =	sld [smem:$0x3FFB];
	_ =	sdelay $0x3  }
0x92: {  	_ =	strace s17  }
0x93: {  	s2 =	sld [smem:$0x3FFC];
	_ =	sdelay $0x3  }
0x94: {  	_ =	strace s2  }
0x95: {  	s2 =	sld [smem:$0x3FFD];
	_ =	sdelay $0x3  }
0x96: {  	_ =	strace s2  }
0x97: {  	_ =	strace $0x8FFFFFFF  }
0x98: {  	s18 =	sld [smem:$0x3FDB];
	_ =	sdelay $0x1  }
0x99: {  	s19 =	simm.s32 $_scs_section_size  }
0x9a: {  	s4 =	simm.s32 $_size__tile_overlayer_lowered;
	s5 =	simm.s32 $_tile_overlayer_lowered  }
0x9b: {  	s22 =	simm.s32 $0x1BFF;
	s21 =	sshll.u32 s5, $0x1;
	s2 =	sadd.s32 s19, s18  }
0x9c: {  	s6 =	simm.s32 $0x0;
	s20 =	sshll.u32 s4, $0x1;
	s4 =	sadd.s32 s21, s2  }
0x9d: {  	[timem:s6], [sflag:s22] =	dma.local [hbm:s4], s20  }
0x9e: {  	_ =	swait.ge [sflag:s22], s20  }
0x9f: {  	s3 =	ssub.s32 $0x0, s20;
	[sflag:s22] =	ssyncset.done $0x0  }
0xa0: {  	[sflag:s22] =	ssyncadd.s32 s3;
	_ =	sdelay $0x1  }
0xa1: {  	s23 =	simm.s32 $0x1B8B  }
0xa2: {  	_ =	swait.ge [sflag:s23], $0x1  }
0xa3: {  	[sflag:s23] =	ssyncset.done $0x0  }
0xa4: {  	s25 =	simm.s32 $0x1B8E;
	s24 =	sld [smem:$0x3FFE];
	[sflag:s23] =	ssyncadd.s32 $0xFFFFFFFF  }
0xa5: {  	s26 =	simm.s32 $execute0_lowered;
	[smem:$0x3FD2] =	sst s25  }
0xa6: {  	s4 =	sshll.u32 s26, $0x1;
	_ =	strace $0x80000046;
	[dreg:$0x1] =	wrdreg $0xFFFFFFFF  }
0xa7: {  	s28 =	simm.s32 $_size_execute0_lowered;
	s2 =	sadd.s32 s2, s4;
	[dreg:$0x0] =	wrdreg $0x0  }
0xa8: {  	s4 =	sshll.u32 s28, $0x1;
	[dreg:$0x2] =	wrdreg s2  }
0xa9: {  	[dreg:$0x3] =	wrdreg s4  }
0xaa: {  	[dreg:$0x4] =	wrdreg $0xC0  }
0xab: {  	_ =	task [dreg:s6], $0x5FFFF  }
0xac: {  	[dreg:$0x1] =	wrdreg $0xFFFFFFFF  }
0xad: {  	[dreg:$0x0] =	wrdreg $0x60  }
0xae: {  	[dreg:$0x2] =	wrdreg s24  }
0xaf: {  	[dreg:$0x3] =	wrdreg $0xB5000  }
0xb0: {  	[dreg:$0x4] =	wrdreg $0xB  }
0xb1: {  	_ =	task.clear_ibuf [dreg:s6], $0x5FFFF;
	_ =	strace $0x90000046  }
0xb2: {  	s29 =	simm.s32 $0xB;
	_ =	strace $0x80000048  }
0xb3: {  	_ =	swait.ge [sflag:s29], $0x1  }
0xb4: {  	[sflag:s29] =	ssyncadd.s32 $0xFFFFFFFF  }
0xb5: {  	_ =	strace $0x90000048  }
0xb6: {  	_ =	sfence  }
0xb7: {  	s30 =	sld [smem:$0x0];
	_ =	sdelay $0x2  }
0xb8: {  	s31 =	sshll.u32 s1, $0xD;
	s1 =	sshrl.u32 s1, $0x2  }
0xb9: {  	s3 =	sand.u32 $0x4000, s31;
	s1 =	sadd.s32 s1, s30  }
0xba: {  	s0 =	sor.u32 s3, s0;
	s1 =	sshll.u32 s1, $0x11  }
0xbb: {  	s0 =	sor.u32 s1, s0  }
0xbc: {  	s0 =	sadd.s32 $0x8F2B, s0  }
0xbd: {  	[sflag:s0] =	ssyncadd.remote.s32 $0x1  }
0xbe: {  	_ =	sfence.sel $0xFFFF  }
0xbf: {  	[dreg:$0x0] =	wrdreg $0xFFFFFFFF;
	(pc) =	sbr.abs _section_cstart, $3  }
0xc0: {  	[dreg:$0x1] =	wrdreg $0xFFFFFFFF  }
0xc1: {  	_ =	task.clear_ibuf [dreg:s6], $0x2FFFF;
	_ =	strace $0x9FFFFFFF  }
0xc2: {  	(tm) =	ssettm $0x7FFFFFFF  }
0xc3: {  	_ =	shalt  }
tec
execute0_lowered:
.L_overlay_start_1:
0x0: {  	(tag) =	ssettag $0x1  }
0x1: {  	s1 =	srdreg.scid;
	s6 =	rddreg [dreg:$0x0]  }
0x2: {  	s0 =	stileid.u32;
	s2 =	rddreg [dreg:$0x1];
	s3 =	simm.s32 $0x0  }
0x3: {  	s14 =	simm.s32 $0x80;
	s15 =	simm.s32 $0x3500;
	s16 =	simm.s32 $0x7500  }
0x4: {  	s17 =	simm.s32 $0x1;
	s18 =	simm.s32 $0x2;
	s19 =	simm.s32 $0x3100  }
0x5: {  	s20 =	simm.s32 $0x3180;
	s7 =	sand.u32 $0x1, s1;
	s1 =	rddreg [dreg:$0x2]  }
0x6: {  	s21 =	simm.s32 $0x0;
	s30 =	sshll.u32 s0, $0x1;
	[smem:$0x7FF] =	sst s3  }
0x7: {  	s8 =	smul.u32 $0x380, s0;
	s11 =	sshll.u32 s0, $0xE;
	s12 =	sshll.u32 s0, $0x6  }
0x8: {  	s5 =	sor.u32 s7, s30;
	_ =	strace $0x80000047;
	s31 =	ssub.s32 $0x2, s7  }
0x9: {  	s11 =	sadd.s32 s11, s2;
	s4 =	smul.u32 $0x320, s5;
	s8 =	sadd.s32 s8, s6  }
0xa: {  	s10 =	sshll.u32 s5, $0xB;
	s5 =	sadd.s32 $0x497A00, s6;
	s7 =	sshrl.u32 s31, $0x1  }
0xb: {  	s11 =	sshrl.u32 s11, $0x3;
	s10 =	sadd.s32 s10, s6;
	s13 =	ssub.s32 s31, s7  }
0xc: {  	s8 =	sadd.s32 $0xFE00, s8;
	s9 =	sadd.s32 s4, s6;
	s4 =	sadd.s32 $0x13600, s6  }
0xd: {  	s6 =	sor.u32 $0x1C03, s12;
	s12 =	simm.s32 $0x3;
	s7 =	sadd.s32 $0x2A00, s9  }
0xe: {  	s9 =	sadd.s32 $0x13E00, s10;
	s10 =	smax.u32 s13, $0x1;
	s13 =	simm.s32 $0x1900  }
.LBB2_1:
0xf: {  	[spmem:s11], [sflag:s6] =	dma.local [hbm:s4], $0x800  }
0x10: {  	_ =	swait.ge [sflag:s12], $0x800  }
0x11: {  	[sflag:s12] =	ssyncset.done $0x0  }
0x12: {  	[sflag:s12] =	ssyncadd.s32 $0xFFFFF800  }
0x13: {  	[tilespmem:s3], [sflag:$0x3] =	stream.linear.gather [hbm4b:s7+s3], $0x1900, $0x38;
	[tilespmem:$0xF500] =	vst v63  }
0x14: {  	_ =	swait.ge [sflag:s12], $0x1900  }
0x15: {  	[sflag:s12] =	ssyncset.done $0x0  }
0x16: {  	[sflag:s12] =	ssyncadd.s32 $0xFFFFE700  }
0x17: {  	[tilespmem:s13], [sflag:$0x3] =	stream.linear.gather [hbm4b:s8+s3], $0x1900, $0x38;
	[tilespmem:$0xF500] =	vst v63  }
0x18: {  	_ =	swait.ge [sflag:s12], $0x1900  }
0x19: {  	[sflag:s12] =	ssyncset.done $0x0  }
0x1a: {  	[sflag:s12] =	ssyncadd.s32 $0xFFFFE700  }
0x1b: {  	[tilespmem:s15], [sflag:$0x1] =	stream.indirect.gather [hbm4b:s5+s14], $0x80, s3, s14, $0xb8;
	[tilespmem:$0xF500] =	vst v63  }
0x1c: {  	_ = 	snop  }
0x1d: {  	[tilespmem:s16], [sflag:$0x2] =	stream.indirect.gather [hbm4b:s5+s14], $0x80, s14, s14, $0xb8;
	[tilespmem:$0xF500] =	vst v63  }
0x1e: {  	_ =	swait.ge [sflag:s17], $0x4000  }
0x1f: {  	[sflag:s17] =	ssyncset.done $0x0  }
0x20: {  	s22 =	simm.s32 $0x1900;
	[sflag:s17] =	ssyncadd.s32 $0xFFFFC000  }
0x21: {  	[spmem:s2] =	stream.indirect.scatter.add.f32 [tilespmem:s15], [sflag:$0x3], $0x80, s22, s14, $0xb8;
	[tilespmem:$0xF500] =	vst v63  }
0x22: {  	_ =	swait.ge [sflag:s12], $0x4000  }
0x23: {  	[sflag:s12] =	ssyncset.done $0x0  }
0x24: {  	s30 =	simm.s32 $0x100;
	[sflag:s12] =	ssyncadd.s32 $0xFFFFC000  }
0x25: {  	[tilespmem:s15], [sflag:$0x1] =	stream.indirect.gather [hbm4b:s5+s14], $0x80, s30, s14, $0xb8;
	[tilespmem:$0xF500] =	vst v63  }
0x26: {  	_ =	swait.ge [sflag:s18], $0x4000  }
0x27: {  	[sflag:s18] =	ssyncset.done $0x0  }
0x28: {  	s31 =	simm.s32 $0x1980;
	[sflag:s18] =	ssyncadd.s32 $0xFFFFC000  }
0x29: {  	[spmem:s2] =	stream.indirect.scatter.add.f32 [tilespmem:s16], [sflag:$0x3], $0x80, s31, s14, $0xb8;
	[tilespmem:$0xF500] =	vst v63  }
0x2a: {  	_ =	swait.ge [sflag:s12], $0x4000  }
0x2b: {  	[sflag:s12] =	ssyncset.done $0x0  }
0x2c: {  	s23 =	simm.s32 $0x180;
	s22 =	simm.s32 $0x400;
	[sflag:s12] =	ssyncadd.s32 $0xFFFFC000  }
.LBB2_2:
0x2d: {  	[tilespmem:s16], [sflag:$0x2] =	stream.indirect.gather [hbm4b:s5+s14], $0x80, s23, s14, $0xb8;
	[tilespmem:$0xF500] =	vst v63  }
0x2e: {  	s23 =	smov.u32 s22  }
0x2f: {  	p0 =	sne.s32 s22, $0x5C00;
	s22 =	sadd.s32 $0x400, s22;
	_ =	swait.ge [sflag:s17], $0x4000  }
0x30: {  	s23 =	sshra.s32 s23, $0x2;
	[sflag:s17] =	ssyncset.done $0x0  }
0x31: {  	s24 =	sadd.s32 $0x1900, s23;
	[sflag:s17] =	ssyncadd.s32 $0xFFFFC000  }
0x32: {  	[spmem:s2] =	stream.indirect.scatter.add.f32 [tilespmem:s15], [sflag:$0x3], $0x80, s24, s14, $0xb8;
	[tilespmem:$0xF500] =	vst v63  }
0x33: {  	_ =	swait.ge [sflag:s12], $0x4000  }
0x34: {  	[sflag:s12] =	ssyncset.done $0x0  }
0x35: {  	s24 =	sadd.s32 $0x100, s23;
	[sflag:s12] =	ssyncadd.s32 $0xFFFFC000  }
0x36: {  	[tilespmem:s15], [sflag:$0x1] =	stream.indirect.gather [hbm4b:s5+s14], $0x80, s24, s14, $0xb8;
	[tilespmem:$0xF500] =	vst v63  }
0x37: {  	_ =	swait.ge [sflag:s18], $0x4000  }
0x38: {  	[sflag:s18] =	ssyncset.done $0x0  }
.Ltmp0:
0x39: {  	s24 =	sadd.s32 $0x1980, s23;
	[sflag:s18] =	ssyncadd.s32 $0xFFFFC000;
	(pc) =	sbr.rel @p0 .LBB2_2-.Ltmp0, $4  }
0x3a: {  	[spmem:s2] =	stream.indirect.scatter.add.f32 [tilespmem:s16], [sflag:$0x3], $0x80, s24, s14, $0xb8;
	[tilespmem:$0xF500] =	vst v63  }
0x3b: {  	_ =	swait.ge [sflag:s12], $0x4000  }
0x3c: {  	[sflag:s12] =	ssyncset.done $0x0  }
0x3d: {  	s23 =	sadd.s32 $0x180, s23;
	[sflag:s12] =	ssyncadd.s32 $0xFFFFC000  }
0x3e: {  	[tilespmem:s16], [sflag:$0x2] =	stream.indirect.gather [hbm4b:s5+s14], $0x80, s23, s14, $0xb8;
	[tilespmem:$0xF500] =	vst v63  }
0x3f: {  	_ =	swait.ge [sflag:s17], $0x4000  }
0x40: {  	[sflag:s17] =	ssyncset.done $0x0  }
0x41: {  	[sflag:s17] =	ssyncadd.s32 $0xFFFFC000  }
0x42: {  	[spmem:s2] =	stream.indirect.scatter.add.f32 [tilespmem:s15], [sflag:$0x3], $0x80, s19, s14, $0xb8;
	[tilespmem:$0xF500] =	vst v63  }
0x43: {  	_ =	swait.ge [sflag:s12], $0x4000  }
0x44: {  	[sflag:s12] =	ssyncset.done $0x0  }
0x45: {  	[sflag:s12] =	ssyncadd.s32 $0xFFFFC000  }
0x46: {  	_ =	swait.ge [sflag:s18], $0x4000  }
0x47: {  	[sflag:s18] =	ssyncset.done $0x0  }
0x48: {  	[sflag:s18] =	ssyncadd.s32 $0xFFFFC000  }
0x49: {  	[spmem:s2] =	stream.indirect.scatter.add.f32 [tilespmem:s16], [sflag:$0x3], $0x80, s20, s14, $0xb8;
	[tilespmem:$0xF500] =	vst v63  }
0x4a: {  	_ =	swait.ge [sflag:s12], $0x4000  }
0x4b: {  	s21 =	sadd.s32 $0x1, s21;
	[sflag:s12] =	ssyncset.done $0x0  }
0x4c: {  	p0 =	sne.s32 s21, s10;
	[sflag:s12] =	ssyncadd.s32 $0xFFFFC000  }
.Ltmp1:
0x4d: {  	[bflag:$0x0] =	sbarrier.arrive $0xFFFF;
	(pc) =	sbr.rel @p0 .LBB2_1-.Ltmp1, $4  }
0x4e: {  	[hbm:s9], [sflag:s6] =	dma.local [spmem:s11], $0x800  }
0x4f: {  	_ =	swait.ge [sflag:s12], $0x800  }
0x50: {  	[sflag:s12] =	ssyncset.done $0x0  }
0x51: {  	[sflag:s12] =	ssyncadd.s32 $0xFFFFF800  }
0x52: {  	_ =	sfence.sel $0x180000  }
0x53: {  	[bflag:$0x0] =	sbarrier.arrive $0xFFFF  }
0x54: {  	p0 =	sne.s32 s0, $0x0;
	_ =	strace $0x90000047  }
0x55: {  	s0 =	sadd.s32 @!p0 $0x100000, s1;
	[bflag:$0x2] =	sbarrier.arrive $0xFFFF  }
0x56: {  	[sflag:s0] =	ssyncadd.tile.s32 @!p0 $0x1;
	_ =	shalt  }
.Lfunc_end2:
_tile_overlayer_lowered:
.L_overlay_start_2:
0x57: {  	(tag) =	ssettag $0x2  }
0x58: {  	s0 =	rddreg [dreg:$0x0];
	s2 =	stileid.u32  }
0x59: {  	s1 =	rddreg [dreg:$0x1];
	p0 =	sne.s32 s2, $0x0  }
0x5a: {  	s3 =	rddreg [dreg:$0x2];
	[bflag:$0x3] =	sbarrier.arrive $0xFFFF;
	s2 =	simm.s32 @!p0 $0x1C03  }
0x5b: {  	[timem:s3], [sflag:s2] =	dma.local @!p0 [hbm:s0], s1  }
0x5c: {  	s0 =	simm.s32 @!p0 $0x3  }
0x5d: {  	_ =	swait.ge @!p0 [sflag:s0], s1  }
0x5e: {  	s1 =	ssub.s32 @!p0 $0x0, s1;
	[sflag:s0] =	ssyncset.done @!p0 $0x0  }
0x5f: {  	[sflag:s0] =	ssyncadd.s32 @!p0 s1  }
0x60: {  	[bflag:$0x3] =	sbarrier.arrive $0xFFFF  }
0x61: {  	_ =	shalt  }

// kernel: kernel.6.cloned.1.call-start
scs
__scs_entry_jumppad:
0x0: {  	(pc) =	sbr.rel $0x88, $3  }
0x1: {  	(tag) =	ssettag $0x0;
	lr =	simm.s32 $0x1  }
0x2: {  	[smem:$0x3F99] =	sst lr;
	_ =	strace $0xD0000000  }
0x3: {  	_ = 	snop  }
0x4: {  	_ = 	snop  }
0x5: {  	_ = 	snop  }
0x6: {  	_ = 	snop  }
0x7: {  	_ = 	snop  }
__scs_overlays_trampoline_lowered:
0x8: {  	[smem:$0x3FA8] =	sst s0  }
0x9: {  	[smem:$0x3FA9] =	sst s1  }
0xa: {  	[smem:$0x3FAA] =	sst s2  }
0xb: {  	[smem:$0x3FAB] =	sst s3  }
0xc: {  	[smem:$0x3FAC] =	sst s4  }
0xd: {  	[smem:$0x3FAD] =	sst s5  }
0xe: {  	[smem:$0x3FAE] =	sst s6  }
0xf: {  	[smem:$0x3FAF] =	sst s7  }
0x10: {  	[smem:$0x3FB0] =	sst s8  }
0x11: {  	[smem:$0x3FB1] =	sst s9;
	s0 =	simm.s32 @!p0 $0x0  }
0x12: {  	s1 =	sld [smem:$0x3F97];
	s0 =	simm.s32 @p0 $0x1  }
0x13: {  	[smem:$0x3FB2] =	sst s0;
	s0 =	simm.s32 @!p1 $0x0  }
0x14: {  	s2 =	sld [smem:$0x3F96];
	s0 =	simm.s32 @p1 $0x1  }
0x15: {  	[smem:$0x3FB3] =	sst s0;
	s0 =	simm.s32 @!p2 $0x0  }
0x16: {  	s3 =	sld [smem:$0x3FDB];
	s0 =	simm.s32 @p2 $0x1  }
0x17: {  	s4 =	simm.s32 $0x1BF5;
	[smem:$0x3FB5] =	sst s0  }
0x18: {  	s0 =	sld [smem:$0x3F98];
	_ =	swait.ge [sflag:s4], $0x0  }
0x19: {  	s7 =	sld [smem:$0x3F99]  }
0x1a: {  	s8 =	sadd.s32 $0xFFFFE003, lr  }
0x1b: {  	s9 =	sadd.s32 $0xFFFFFEF7, lr;
	s5 =	simm.s32 $0xFFFFFFFF;
	p2 =	slt.u32 s8, $0xFFFFF086  }
0x1c: {  	p1 =	slt.u32 s9, $0xF7A;
	s5 =	simm.s32 @!p2 $0x0  }
0x1d: {  	s5 =	simm.s32 @p1 $0x1;
	p0 =	seq.s32 s7, s2  }
0x1e: {  	s7 =	smul.u32 @!p0 $0xF7A, s2;
	p2 =	seq.s32 @!p0 s5, $0x0  }
0x1f: {  	s9 =	smul.u32 $0xF7A, s1;
	s8 =	simm.s32 @!p0 $0x1BF5;
	p2 =	por !p2, p0  }
0x20: {  	[sflag:s8] =	ssyncset.s32 @!p0 $0xFFFFF086;
	s6 =	sadd.s32 @!p0 s3, s7;
	s7 =	simm.s32 @!p0 $0x108  }
0x21: {  	s3 =	sadd.s32 s3, s9;
	s6 =	sadd.s32 @!p0 $0x88, s6;
	s7 =	simm.s32 @p2 $0x1082  }
0x22: {  	[simem:s7], [sflag:s8] =	dma.local @!p0 [hbm:s6], $0xF7A  }
0x23: {  	s9 =	sor.u32 $0xD0000000, s2;
	s6 =	simm.s32 $0x108;
	_ =	swait.ge @!p0 [sflag:s8], $0x0  }
0x24: {  	s3 =	sadd.s32 $0x88, s3;
	s6 =	simm.s32 @!p1 $0x1082;
	[sflag:s4] =	ssyncset.s32 $0xFFFFF086  }
0x25: {  	[simem:s6], [sflag:s4] =	dma.local [hbm:s3], $0xF7A  }
0x26: {  	[smem:$0x3F99] =	sst s1;
	(tag) =	ssettag s2;
	_ =	strace s9  }
0x27: {  	s1 =	sld [smem:$0x3FA9]  }
0x28: {  	s2 =	sld [smem:$0x3FAA]  }
0x29: {  	s4 =	sld [smem:$0x3FAC]  }
0x2a: {  	p0 =	seq.s32 s5, $0x0;
	s5 =	sld [smem:$0x3FAD]  }
0x2b: {  	s6 =	sld [smem:$0x3FAE]  }
0x2c: {  	s7 =	sld [smem:$0x3FAF]  }
0x2d: {  	s3 =	simm.s32 $0x108;
	s8 =	sld [smem:$0x3FB0]  }
0x2e: {  	s3 =	simm.s32 @!p0 $0x1082;
	s9 =	sld [smem:$0x3FB1]  }
0x2f: {  	lr =	sadd.s32 s0, s3;
	s0 =	sld [smem:$0x3FA8]  }
0x30: {  	s3 =	sld [smem:$0x3FAB]  }
0x31: {  	[smem:$0x3FB4] =	sst s10  }
0x32: {  	s10 =	sld [smem:$0x3FB2];
	_ =	sdelay $0x3  }
0x33: {  	p0 =	seq.s32 s10, $0x1;
	s10 =	sld [smem:$0x3FB4];
	_ =	sdelay $0x3  }
0x34: {  	[smem:$0x3FB4] =	sst s10  }
0x35: {  	s10 =	sld [smem:$0x3FB3];
	_ =	sdelay $0x3  }
0x36: {  	p1 =	seq.s32 s10, $0x1;
	s10 =	sld [smem:$0x3FB4];
	_ =	sdelay $0x3  }
0x37: {  	[smem:$0x3FB4] =	sst s10  }
0x38: {  	s10 =	sld [smem:$0x3FB5]  }
0x39: {  	_ = 	snop;
	(pc) =	sbr.ind lr, $3  }
0x3a: {  	_ = 	snop  }
0x3b: {  	_ = 	snop  }
0x3c: {  	p2 =	seq.s32 s10, $0x1;
	s10 =	sld [smem:$0x3FB4]  }
0x3d: {  	_ =	shalt  }
0x3e: {  	_ =	shalt  }
0x3f: {  	_ =	shalt  }
0x40: {  	_ =	shalt  }
0x41: {  	_ =	shalt  }
0x42: {  	_ =	shalt  }
0x43: {  	_ =	shalt  }
0x44: {  	_ =	shalt  }
0x45: {  	_ =	shalt  }
0x46: {  	_ =	shalt  }
0x47: {  	_ =	shalt  }
0x48: {  	_ =	shalt  }
0x49: {  	_ =	shalt  }
0x4a: {  	_ =	shalt  }
0x4b: {  	_ =	shalt  }
0x4c: {  	_ =	shalt  }
0x4d: {  	_ =	shalt  }
0x4e: {  	_ =	shalt  }
0x4f: {  	_ =	shalt  }
0x50: {  	_ =	shalt  }
0x51: {  	_ =	shalt  }
0x52: {  	_ =	shalt  }
0x53: {  	_ =	shalt  }
0x54: {  	_ =	shalt  }
0x55: {  	_ =	shalt  }
0x56: {  	_ =	shalt  }
0x57: {  	_ =	shalt  }
0x58: {  	_ =	shalt  }
0x59: {  	_ =	shalt  }
0x5a: {  	_ =	shalt  }
0x5b: {  	_ =	shalt  }
0x5c: {  	_ =	shalt  }
0x5d: {  	_ =	shalt  }
0x5e: {  	_ =	shalt  }
0x5f: {  	_ =	shalt  }
0x60: {  	_ =	shalt  }
0x61: {  	_ =	shalt  }
0x62: {  	_ =	shalt  }
0x63: {  	_ =	shalt  }
0x64: {  	_ =	shalt  }
0x65: {  	_ =	shalt  }
0x66: {  	_ =	shalt  }
0x67: {  	_ =	shalt  }
0x68: {  	_ =	shalt  }
0x69: {  	_ =	shalt  }
0x6a: {  	_ =	shalt  }
0x6b: {  	_ =	shalt  }
0x6c: {  	_ =	shalt  }
0x6d: {  	_ =	shalt  }
0x6e: {  	_ =	shalt  }
0x6f: {  	_ =	shalt  }
0x70: {  	_ =	shalt  }
0x71: {  	_ =	shalt  }
0x72: {  	_ =	shalt  }
0x73: {  	_ =	shalt  }
0x74: {  	_ =	shalt  }
0x75: {  	_ =	shalt  }
0x76: {  	_ =	shalt  }
0x77: {  	_ =	shalt  }
0x78: {  	_ =	shalt  }
0x79: {  	_ =	shalt  }
0x7a: {  	_ =	shalt  }
0x7b: {  	_ =	shalt  }
0x7c: {  	_ =	shalt  }
0x7d: {  	_ =	shalt  }
0x7e: {  	_ =	shalt  }
0x7f: {  	_ =	shalt  }
0x80: {  	_ =	shalt  }
0x81: {  	_ =	shalt  }
0x82: {  	_ =	shalt  }
0x83: {  	_ =	shalt  }
0x84: {  	_ =	shalt  }
0x85: {  	_ =	shalt  }
0x86: {  	_ =	shalt  }
0x87: {  	_ =	shalt  }
.Lfunc_end0:
.L_simem_size_0:
called_computation_lowered:
.L_overlay_start_0:
0x88: {  	s2 =	sld [smem:$0x3FD9]  }
0x89: {  	s3 =	sld [smem:$0x3FFE];
	_ =	sdelay $0x1  }
0x8a: {  	s1 =	srdreg.scid  }
0x8b: {  	s0 =	sand.u32 $0x1, s1  }
0x8c: {  	s17 =	sshll.u32 s0, $0xA;
	s2 =	sadd.s32 s3, s2  }
0x8d: {  	s2 =	sadd.s32 s2, s17  }
0x8e: {  	[smem:$0x3FC0] =	sst s2  }
0x8f: {  	_ = 	snop  }
0x90: {  	(tm) =	ssettm $0x1  }
0x91: {  	s18 =	sld [smem:$0x3FFB];
	_ =	sdelay $0x3  }
0x92: {  	_ =	strace s18  }
0x93: {  	s2 =	sld [smem:$0x3FFC];
	_ =	sdelay $0x3  }
0x94: {  	_ =	strace s2  }
0x95: {  	s2 =	sld [smem:$0x3FFD];
	_ =	sdelay $0x3  }
0x96: {  	_ =	strace s2  }
0x97: {  	_ =	strace $0x8FFFFFFF  }
0x98: {  	s19 =	sld [smem:$0x3FDB];
	_ =	sdelay $0x1  }
0x99: {  	s20 =	simm.s32 $_scs_section_size  }
0x9a: {  	s4 =	simm.s32 $_size__tile_overlayer_lowered;
	s5 =	simm.s32 $_tile_overlayer_lowered  }
0x9b: {  	s6 =	simm.s32 $0x1BFF;
	s21 =	sshll.u32 s5, $0x1;
	s3 =	sadd.s32 s20, s19  }
0x9c: {  	s22 =	simm.s32 $0x0;
	s4 =	sshll.u32 s4, $0x1;
	s5 =	sadd.s32 s21, s3  }
0x9d: {  	[timem:s22], [sflag:s6] =	dma.local [hbm:s5], s4  }
0x9e: {  	_ =	swait.ge [sflag:s6], s4  }
0x9f: {  	s4 =	ssub.s32 $0x0, s4;
	[sflag:s6] =	ssyncset.done $0x0  }
0xa0: {  	[sflag:s6] =	ssyncadd.s32 s4;
	_ =	sdelay $0x1  }
0xa1: {  	s23 =	simm.s32 $0x1B8B  }
0xa2: {  	_ =	swait.ge [sflag:s23], $0x1  }
0xa3: {  	[sflag:s23] =	ssyncset.done $0x0  }
0xa4: {  	[sflag:s23] =	ssyncadd.s32 $0xFFFFFFFF  }
0xa5: {  	s4 =	sld [smem:$0x0]  }
0xa6: {  	s5 =	sand.u32 $0xFFFFFFFE, s1  }
0xa7: {  	p0 =	sne.s32 s1, s5  }
0xa8: {  	s5 =	sshll.u32 @p0 s5, $0xE  }
0xa9: {  	s5 =	sadd.s32 @p0 $0x11B8D, s5;
	s6 =	sshll.u32 @p0 s4, $0x11  }
0xaa: {  	s5 =	sor.u32 @p0 s6, s5  }
0xab: {  	[sflag:s5] =	ssyncadd.remote.s32 @p0 $0x1;
	_ =	sdelay $0x1  }
0xac: {  	s5 =	simm.s32 @p0 $0x1B8D  }
0xad: {  	_ =	swait.eq @p0 [sflag:s5], $0x1  }
0xae: {  	[sflag:s5] =	ssyncadd.s32 @p0 $0xFFFFFFFF  }
0xaf: {  	s6 =	sshll.u32 @!p0 s1, $0xE  }
0xb0: {  	s6 =	sor.u32 @!p0 $0x4000, s6;
	s5 =	simm.s32 @!p0 $0x1B8D  }
0xb1: {  	s4 =	sshll.u32 @!p0 s4, $0x11;
	s6 =	sadd.s32 @!p0 $0x11B8D, s6;
	_ =	swait.eq @!p0 [sflag:s5], $0x1  }
0xb2: {  	s4 =	sor.u32 @!p0 s4, s6;
	[sflag:s5] =	ssyncadd.s32 @!p0 $0xFFFFFFFF  }
0xb3: {  	s25 =	simm.s32 $0x1B8E;
	s24 =	sld [smem:$0x3FFE];
	[sflag:s4] =	ssyncadd.remote.s32 @!p0 $0x1  }
0xb4: {  	s26 =	simm.s32 $execute0_lowered;
	[smem:$0x3FD2] =	sst s25  }
0xb5: {  	s5 =	sshll.u32 s26, $0x1;
	_ =	strace $0x80000049;
	[dreg:$0x1] =	wrdreg $0xFFFFFFFF  }
0xb6: {  	s28 =	simm.s32 $_size_execute0_lowered;
	s3 =	sadd.s32 s3, s5;
	[dreg:$0x0] =	wrdreg $0x0  }
0xb7: {  	s5 =	sshll.u32 s28, $0x1;
	[dreg:$0x2] =	wrdreg s3  }
0xb8: {  	[dreg:$0x3] =	wrdreg s5  }
0xb9: {  	[dreg:$0x4] =	wrdreg $0xC0  }
0xba: {  	_ =	task [dreg:s22], $0x5FFFF  }
0xbb: {  	[dreg:$0x1] =	wrdreg $0xFFFFFFFF  }
0xbc: {  	[dreg:$0x0] =	wrdreg $0x60  }
0xbd: {  	[dreg:$0x2] =	wrdreg s24  }
0xbe: {  	[dreg:$0x3] =	wrdreg $0xB5000  }
0xbf: {  	[dreg:$0x4] =	wrdreg $0x9  }
0xc0: {  	_ =	task.clear_ibuf [dreg:s22], $0x5FFFF;
	_ =	strace $0x90000049  }
0xc1: {  	s29 =	simm.s32 $0x9;
	_ =	strace $0x8000004B  }
0xc2: {  	_ =	swait.ge [sflag:s29], $0x1  }
0xc3: {  	[sflag:s29] =	ssyncadd.s32 $0xFFFFFFFF  }
0xc4: {  	_ =	strace $0x9000004B  }
0xc5: {  	_ =	sfence  }
0xc6: {  	s30 =	sld [smem:$0x0];
	_ =	sdelay $0x2  }
0xc7: {  	s31 =	sshll.u32 s1, $0xD;
	s1 =	sshrl.u32 s1, $0x2  }
0xc8: {  	s4 =	sand.u32 $0x4000, s31;
	s1 =	sadd.s32 s1, s30  }
0xc9: {  	s0 =	sor.u32 s4, s0;
	s1 =	sshll.u32 s1, $0x11  }
0xca: {  	s0 =	sor.u32 s1, s0  }
0xcb: {  	s0 =	sadd.s32 $0x8F2B, s0  }
0xcc: {  	[sflag:s0] =	ssyncadd.remote.s32 $0x1  }
0xcd: {  	_ =	sfence.sel $0xFFFF  }
0xce: {  	[dreg:$0x0] =	wrdreg $0xFFFFFFFF;
	(pc) =	sbr.abs _section_cstart, $3  }
0xcf: {  	[dreg:$0x1] =	wrdreg $0xFFFFFFFF  }
0xd0: {  	_ =	task.clear_ibuf [dreg:s22], $0x2FFFF;
	_ =	strace $0x9FFFFFFF  }
0xd1: {  	(tm) =	ssettm $0x7FFFFFFF  }
tec
execute0_lowered:
.L_overlay_start_1:
0x0: {  	(tag) =	ssettag $0x1  }
0x1: {  	s1 =	srdreg.scid;
	s6 =	rddreg [dreg:$0x0]  }
0x2: {  	s0 =	stileid.u32;
	s2 =	rddreg [dreg:$0x1];
	s3 =	simm.s32 $0x0  }
0x3: {  	s14 =	simm.s32 $0x80;
	s15 =	simm.s32 $0x3500;
	s16 =	simm.s32 $0x7500  }
0x4: {  	s17 =	simm.s32 $0x1;
	s18 =	simm.s32 $0x2;
	s19 =	simm.s32 $0x3100  }
0x5: {  	s20 =	simm.s32 $0x3180;
	s7 =	sand.u32 $0x1, s1;
	s1 =	rddreg [dreg:$0x2]  }
0x6: {  	s21 =	simm.s32 $0x0;
	s30 =	sshll.u32 s0, $0x1;
	[smem:$0x7FF] =	sst s3  }
0x7: {  	s8 =	smul.u32 $0x380, s0;
	s11 =	sshll.u32 s0, $0xE;
	s12 =	sshll.u32 s0, $0x6  }
0x8: {  	s5 =	sor.u32 s7, s30;
	_ =	strace $0x8000004A;
	s31 =	ssub.s32 $0x2, s7  }
0x9: {  	s11 =	sadd.s32 s11, s2;
	s4 =	smul.u32 $0x320, s5;
	s8 =	sadd.s32 s8, s6  }
0xa: {  	s10 =	sshll.u32 s5, $0xB;
	s5 =	sadd.s32 $0x61E600, s6;
	s7 =	sshrl.u32 s31, $0x1  }
0xb: {  	s11 =	sshrl.u32 s11, $0x3;
	s10 =	sadd.s32 s10, s6;
	s13 =	ssub.s32 s31, s7  }
0xc: {  	s8 =	sadd.s32 $0x8E00, s8;
	s9 =	sadd.s32 s4, s6;
	s4 =	sadd.s32 $0x13600, s6  }
0xd: {  	s6 =	sor.u32 $0x1C03, s12;
	s12 =	simm.s32 $0x3;
	s7 =	sadd.s32 $0x2A00, s9  }
0xe: {  	s9 =	sadd.s32 $0x23E00, s10;
	s10 =	smax.u32 s13, $0x1;
	s13 =	simm.s32 $0x1900  }
.LBB2_1:
0xf: {  	[spmem:s11], [sflag:s6] =	dma.local [hbm:s4], $0x800  }
0x10: {  	_ =	swait.ge [sflag:s12], $0x800  }
0x11: {  	[sflag:s12] =	ssyncset.done $0x0  }
0x12: {  	[sflag:s12] =	ssyncadd.s32 $0xFFFFF800  }
0x13: {  	[tilespmem:s3], [sflag:$0x3] =	stream.linear.gather [hbm4b:s7+s3], $0x1900, $0x38;
	[tilespmem:$0xF500] =	vst v63  }
0x14: {  	_ =	swait.ge [sflag:s12], $0x1900  }
0x15: {  	[sflag:s12] =	ssyncset.done $0x0  }
0x16: {  	[sflag:s12] =	ssyncadd.s32 $0xFFFFE700  }
0x17: {  	[tilespmem:s13], [sflag:$0x3] =	stream.linear.gather [hbm4b:s8+s3], $0x1900, $0x38;
	[tilespmem:$0xF500] =	vst v63  }
0x18: {  	_ =	swait.ge [sflag:s12], $0x1900  }
0x19: {  	[sflag:s12] =	ssyncset.done $0x0  }
0x1a: {  	[sflag:s12] =	ssyncadd.s32 $0xFFFFE700  }
0x1b: {  	[tilespmem:s15], [sflag:$0x1] =	stream.indirect.gather [hbm4b:s5+s14], $0x80, s3, s14, $0xb8;
	[tilespmem:$0xF500] =	vst v63  }
0x1c: {  	_ = 	snop  }
0x1d: {  	[tilespmem:s16], [sflag:$0x2] =	stream.indirect.gather [hbm4b:s5+s14], $0x80, s14, s14, $0xb8;
	[tilespmem:$0xF500] =	vst v63  }
0x1e: {  	_ =	swait.ge [sflag:s17], $0x4000  }
0x1f: {  	[sflag:s17] =	ssyncset.done $0x0  }
0x20: {  	s22 =	simm.s32 $0x1900;
	[sflag:s17] =	ssyncadd.s32 $0xFFFFC000  }
0x21: {  	[spmem:s2] =	stream.indirect.scatter.add.f32 [tilespmem:s15], [sflag:$0x3], $0x80, s22, s14, $0xb8;
	[tilespmem:$0xF500] =	vst v63  }
0x22: {  	_ =	swait.ge [sflag:s12], $0x4000  }
0x23: {  	[sflag:s12] =	ssyncset.done $0x0  }
0x24: {  	s30 =	simm.s32 $0x100;
	[sflag:s12] =	ssyncadd.s32 $0xFFFFC000  }
0x25: {  	[tilespmem:s15], [sflag:$0x1] =	stream.indirect.gather [hbm4b:s5+s14], $0x80, s30, s14, $0xb8;
	[tilespmem:$0xF500] =	vst v63  }
0x26: {  	_ =	swait.ge [sflag:s18], $0x4000  }
0x27: {  	[sflag:s18] =	ssyncset.done $0x0  }
0x28: {  	s31 =	simm.s32 $0x1980;
	[sflag:s18] =	ssyncadd.s32 $0xFFFFC000  }
0x29: {  	[spmem:s2] =	stream.indirect.scatter.add.f32 [tilespmem:s16], [sflag:$0x3], $0x80, s31, s14, $0xb8;
	[tilespmem:$0xF500] =	vst v63  }
0x2a: {  	_ =	swait.ge [sflag:s12], $0x4000  }
0x2b: {  	[sflag:s12] =	ssyncset.done $0x0  }
0x2c: {  	s23 =	simm.s32 $0x180;
	s22 =	simm.s32 $0x400;
	[sflag:s12] =	ssyncadd.s32 $0xFFFFC000  }
.LBB2_2:
0x2d: {  	[tilespmem:s16], [sflag:$0x2] =	stream.indirect.gather [hbm4b:s5+s14], $0x80, s23, s14, $0xb8;
	[tilespmem:$0xF500] =	vst v63  }
0x2e: {  	s23 =	smov.u32 s22  }
0x2f: {  	p0 =	sne.s32 s22, $0x5C00;
	s22 =	sadd.s32 $0x400, s22;
	_ =	swait.ge [sflag:s17], $0x4000  }
0x30: {  	s23 =	sshra.s32 s23, $0x2;
	[sflag:s17] =	ssyncset.done $0x0  }
0x31: {  	s24 =	sadd.s32 $0x1900, s23;
	[sflag:s17] =	ssyncadd.s32 $0xFFFFC000  }
0x32: {  	[spmem:s2] =	stream.indirect.scatter.add.f32 [tilespmem:s15], [sflag:$0x3], $0x80, s24, s14, $0xb8;
	[tilespmem:$0xF500] =	vst v63  }
0x33: {  	_ =	swait.ge [sflag:s12], $0x4000  }
0x34: {  	[sflag:s12] =	ssyncset.done $0x0  }
0x35: {  	s24 =	sadd.s32 $0x100, s23;
	[sflag:s12] =	ssyncadd.s32 $0xFFFFC000  }
0x36: {  	[tilespmem:s15], [sflag:$0x1] =	stream.indirect.gather [hbm4b:s5+s14], $0x80, s24, s14, $0xb8;
	[tilespmem:$0xF500] =	vst v63  }
0x37: {  	_ =	swait.ge [sflag:s18], $0x4000  }
0x38: {  	[sflag:s18] =	ssyncset.done $0x0  }
.Ltmp0:
0x39: {  	s24 =	sadd.s32 $0x1980, s23;
	[sflag:s18] =	ssyncadd.s32 $0xFFFFC000;
	(pc) =	sbr.rel @p0 .LBB2_2-.Ltmp0, $4  }
0x3a: {  	[spmem:s2] =	stream.indirect.scatter.add.f32 [tilespmem:s16], [sflag:$0x3], $0x80, s24, s14, $0xb8;
	[tilespmem:$0xF500] =	vst v63  }
0x3b: {  	_ =	swait.ge [sflag:s12], $0x4000  }
0x3c: {  	[sflag:s12] =	ssyncset.done $0x0  }
0x3d: {  	s23 =	sadd.s32 $0x180, s23;
	[sflag:s12] =	ssyncadd.s32 $0xFFFFC000  }
0x3e: {  	[tilespmem:s16], [sflag:$0x2] =	stream.indirect.gather [hbm4b:s5+s14], $0x80, s23, s14, $0xb8;
	[tilespmem:$0xF500] =	vst v63  }
0x3f: {  	_ =	swait.ge [sflag:s17], $0x4000  }
0x40: {  	[sflag:s17] =	ssyncset.done $0x0  }
0x41: {  	[sflag:s17] =	ssyncadd.s32 $0xFFFFC000  }
0x42: {  	[spmem:s2] =	stream.indirect.scatter.add.f32 [tilespmem:s15], [sflag:$0x3], $0x80, s19, s14, $0xb8;
	[tilespmem:$0xF500] =	vst v63  }
0x43: {  	_ =	swait.ge [sflag:s12], $0x4000  }
0x44: {  	[sflag:s12] =	ssyncset.done $0x0  }
0x45: {  	[sflag:s12] =	ssyncadd.s32 $0xFFFFC000  }
0x46: {  	_ =	swait.ge [sflag:s18], $0x4000  }
0x47: {  	[sflag:s18] =	ssyncset.done $0x0  }
0x48: {  	[sflag:s18] =	ssyncadd.s32 $0xFFFFC000  }
0x49: {  	[spmem:s2] =	stream.indirect.scatter.add.f32 [tilespmem:s16], [sflag:$0x3], $0x80, s20, s14, $0xb8;
	[tilespmem:$0xF500] =	vst v63  }
0x4a: {  	_ =	swait.ge [sflag:s12], $0x4000  }
0x4b: {  	s21 =	sadd.s32 $0x1, s21;
	[sflag:s12] =	ssyncset.done $0x0  }
0x4c: {  	p0 =	sne.s32 s21, s10;
	[sflag:s12] =	ssyncadd.s32 $0xFFFFC000  }
.Ltmp1:
0x4d: {  	[bflag:$0x0] =	sbarrier.arrive $0xFFFF;
	(pc) =	sbr.rel @p0 .LBB2_1-.Ltmp1, $4  }
0x4e: {  	[hbm:s9], [sflag:s6] =	dma.local [spmem:s11], $0x800  }
0x4f: {  	_ =	swait.ge [sflag:s12], $0x800  }
0x50: {  	[sflag:s12] =	ssyncset.done $0x0  }
0x51: {  	[sflag:s12] =	ssyncadd.s32 $0xFFFFF800  }
0x52: {  	_ =	sfence.sel $0x180000  }
0x53: {  	[bflag:$0x0] =	sbarrier.arrive $0xFFFF  }
0x54: {  	p0 =	sne.s32 s0, $0x0;
	_ =	strace $0x9000004A  }
0x55: {  	s0 =	sadd.s32 @!p0 $0x100000, s1;
	[bflag:$0x2] =	sbarrier.arrive $0xFFFF  }
0x56: {  	[sflag:s0] =	ssyncadd.tile.s32 @!p0 $0x1;
	_ =	shalt  }
.Lfunc_end2:
_tile_overlayer_lowered:
.L_overlay_start_2:
0x57: {  	(tag) =	ssettag $0x2  }
0x58: {  	s0 =	rddreg [dreg:$0x0];
	s2 =	stileid.u32  }
0x59: {  	s1 =	rddreg [dreg:$0x1];
	p0 =	sne.s32 s2, $0x0  }
0x5a: {  	s3 =	rddreg [dreg:$0x2];
	[bflag:$0x3] =	sbarrier.arrive $0xFFFF;
	s2 =	simm.s32 @!p0 $0x1C03  }
0x5b: {  	[timem:s3], [sflag:s2] =	dma.local @!p0 [hbm:s0], s1  }
0x5c: {  	s0 =	simm.s32 @!p0 $0x3  }
0x5d: {  	_ =	swait.ge @!p0 [sflag:s0], s1  }
0x5e: {  	s1 =	ssub.s32 @!p0 $0x0, s1;
	[sflag:s0] =	ssyncset.done @!p0 $0x0  }
0x5f: {  	[sflag:s0] =	ssyncadd.s32 @!p0 s1  }
0x60: {  	[bflag:$0x3] =	sbarrier.arrive $0xFFFF  }
0x61: {  	_ =	shalt  }

// kernel: kernel.9.cloned.1.call-start
scs
__scs_entry_jumppad:
0x0: {  	(pc) =	sbr.rel $0x88, $3  }
0x1: {  	(tag) =	ssettag $0x0;
	lr =	simm.s32 $0x1  }
0x2: {  	[smem:$0x3F99] =	sst lr;
	_ =	strace $0xD0000000  }
0x3: {  	_ = 	snop  }
0x4: {  	_ = 	snop  }
0x5: {  	_ = 	snop  }
0x6: {  	_ = 	snop  }
0x7: {  	_ = 	snop  }
__scs_overlays_trampoline_lowered:
0x8: {  	[smem:$0x3FA8] =	sst s0  }
0x9: {  	[smem:$0x3FA9] =	sst s1  }
0xa: {  	[smem:$0x3FAA] =	sst s2  }
0xb: {  	[smem:$0x3FAB] =	sst s3  }
0xc: {  	[smem:$0x3FAC] =	sst s4  }
0xd: {  	[smem:$0x3FAD] =	sst s5  }
0xe: {  	[smem:$0x3FAE] =	sst s6  }
0xf: {  	[smem:$0x3FAF] =	sst s7  }
0x10: {  	[smem:$0x3FB0] =	sst s8  }
0x11: {  	[smem:$0x3FB1] =	sst s9;
	s0 =	simm.s32 @!p0 $0x0  }
0x12: {  	s1 =	sld [smem:$0x3F97];
	s0 =	simm.s32 @p0 $0x1  }
0x13: {  	[smem:$0x3FB2] =	sst s0;
	s0 =	simm.s32 @!p1 $0x0  }
0x14: {  	s2 =	sld [smem:$0x3F96];
	s0 =	simm.s32 @p1 $0x1  }
0x15: {  	[smem:$0x3FB3] =	sst s0;
	s0 =	simm.s32 @!p2 $0x0  }
0x16: {  	s3 =	sld [smem:$0x3FDB];
	s0 =	simm.s32 @p2 $0x1  }
0x17: {  	s4 =	simm.s32 $0x1BF5;
	[smem:$0x3FB5] =	sst s0  }
0x18: {  	s0 =	sld [smem:$0x3F98];
	_ =	swait.ge [sflag:s4], $0x0  }
0x19: {  	s7 =	sld [smem:$0x3F99]  }
0x1a: {  	s8 =	sadd.s32 $0xFFFFE003, lr  }
0x1b: {  	s9 =	sadd.s32 $0xFFFFFEF7, lr;
	s5 =	simm.s32 $0xFFFFFFFF;
	p2 =	slt.u32 s8, $0xFFFFF086  }
0x1c: {  	p1 =	slt.u32 s9, $0xF7A;
	s5 =	simm.s32 @!p2 $0x0  }
0x1d: {  	s5 =	simm.s32 @p1 $0x1;
	p0 =	seq.s32 s7, s2  }
0x1e: {  	s7 =	smul.u32 @!p0 $0xF7A, s2;
	p2 =	seq.s32 @!p0 s5, $0x0  }
0x1f: {  	s9 =	smul.u32 $0xF7A, s1;
	s8 =	simm.s32 @!p0 $0x1BF5;
	p2 =	por !p2, p0  }
0x20: {  	[sflag:s8] =	ssyncset.s32 @!p0 $0xFFFFF086;
	s6 =	sadd.s32 @!p0 s3, s7;
	s7 =	simm.s32 @!p0 $0x108  }
0x21: {  	s3 =	sadd.s32 s3, s9;
	s6 =	sadd.s32 @!p0 $0x88, s6;
	s7 =	simm.s32 @p2 $0x1082  }
0x22: {  	[simem:s7], [sflag:s8] =	dma.local @!p0 [hbm:s6], $0xF7A  }
0x23: {  	s9 =	sor.u32 $0xD0000000, s2;
	s6 =	simm.s32 $0x108;
	_ =	swait.ge @!p0 [sflag:s8], $0x0  }
0x24: {  	s3 =	sadd.s32 $0x88, s3;
	s6 =	simm.s32 @!p1 $0x1082;
	[sflag:s4] =	ssyncset.s32 $0xFFFFF086  }
0x25: {  	[simem:s6], [sflag:s4] =	dma.local [hbm:s3], $0xF7A  }
0x26: {  	[smem:$0x3F99] =	sst s1;
	(tag) =	ssettag s2;
	_ =	strace s9  }
0x27: {  	s1 =	sld [smem:$0x3FA9]  }
0x28: {  	s2 =	sld [smem:$0x3FAA]  }
0x29: {  	s4 =	sld [smem:$0x3FAC]  }
0x2a: {  	p0 =	seq.s32 s5, $0x0;
	s5 =	sld [smem:$0x3FAD]  }
0x2b: {  	s6 =	sld [smem:$0x3FAE]  }
0x2c: {  	s7 =	sld [smem:$0x3FAF]  }
0x2d: {  	s3 =	simm.s32 $0x108;
	s8 =	sld [smem:$0x3FB0]  }
0x2e: {  	s3 =	simm.s32 @!p0 $0x1082;
	s9 =	sld [smem:$0x3FB1]  }
0x2f: {  	lr =	sadd.s32 s0, s3;
	s0 =	sld [smem:$0x3FA8]  }
0x30: {  	s3 =	sld [smem:$0x3FAB]  }
0x31: {  	[smem:$0x3FB4] =	sst s10  }
0x32: {  	s10 =	sld [smem:$0x3FB2];
	_ =	sdelay $0x3  }
0x33: {  	p0 =	seq.s32 s10, $0x1;
	s10 =	sld [smem:$0x3FB4];
	_ =	sdelay $0x3  }
0x34: {  	[smem:$0x3FB4] =	sst s10  }
0x35: {  	s10 =	sld [smem:$0x3FB3];
	_ =	sdelay $0x3  }
0x36: {  	p1 =	seq.s32 s10, $0x1;
	s10 =	sld [smem:$0x3FB4];
	_ =	sdelay $0x3  }
0x37: {  	[smem:$0x3FB4] =	sst s10  }
0x38: {  	s10 =	sld [smem:$0x3FB5]  }
0x39: {  	_ = 	snop;
	(pc) =	sbr.ind lr, $3  }
0x3a: {  	_ = 	snop  }
0x3b: {  	_ = 	snop  }
0x3c: {  	p2 =	seq.s32 s10, $0x1;
	s10 =	sld [smem:$0x3FB4]  }
0x3d: {  	_ =	shalt  }
0x3e: {  	_ =	shalt  }
0x3f: {  	_ =	shalt  }
0x40: {  	_ =	shalt  }
0x41: {  	_ =	shalt  }
0x42: {  	_ =	shalt  }
0x43: {  	_ =	shalt  }
0x44: {  	_ =	shalt  }
0x45: {  	_ =	shalt  }
0x46: {  	_ =	shalt  }
0x47: {  	_ =	shalt  }
0x48: {  	_ =	shalt  }
0x49: {  	_ =	shalt  }
0x4a: {  	_ =	shalt  }
0x4b: {  	_ =	shalt  }
0x4c: {  	_ =	shalt  }
0x4d: {  	_ =	shalt  }
0x4e: {  	_ =	shalt  }
0x4f: {  	_ =	shalt  }
0x50: {  	_ =	shalt  }
0x51: {  	_ =	shalt  }
0x52: {  	_ =	shalt  }
0x53: {  	_ =	shalt  }
0x54: {  	_ =	shalt  }
0x55: {  	_ =	shalt  }
0x56: {  	_ =	shalt  }
0x57: {  	_ =	shalt  }
0x58: {  	_ =	shalt  }
0x59: {  	_ =	shalt  }
0x5a: {  	_ =	shalt  }
0x5b: {  	_ =	shalt  }
0x5c: {  	_ =	shalt  }
0x5d: {  	_ =	shalt  }
0x5e: {  	_ =	shalt  }
0x5f: {  	_ =	shalt  }
0x60: {  	_ =	shalt  }
0x61: {  	_ =	shalt  }
0x62: {  	_ =	shalt  }
0x63: {  	_ =	shalt  }
0x64: {  	_ =	shalt  }
0x65: {  	_ =	shalt  }
0x66: {  	_ =	shalt  }
0x67: {  	_ =	shalt  }
0x68: {  	_ =	shalt  }
0x69: {  	_ =	shalt  }
0x6a: {  	_ =	shalt  }
0x6b: {  	_ =	shalt  }
0x6c: {  	_ =	shalt  }
0x6d: {  	_ =	shalt  }
0x6e: {  	_ =	shalt  }
0x6f: {  	_ =	shalt  }
0x70: {  	_ =	shalt  }
0x71: {  	_ =	shalt  }
0x72: {  	_ =	shalt  }
0x73: {  	_ =	shalt  }
0x74: {  	_ =	shalt  }
0x75: {  	_ =	shalt  }
0x76: {  	_ =	shalt  }
0x77: {  	_ =	shalt  }
0x78: {  	_ =	shalt  }
0x79: {  	_ =	shalt  }
0x7a: {  	_ =	shalt  }
0x7b: {  	_ =	shalt  }
0x7c: {  	_ =	shalt  }
0x7d: {  	_ =	shalt  }
0x7e: {  	_ =	shalt  }
0x7f: {  	_ =	shalt  }
0x80: {  	_ =	shalt  }
0x81: {  	_ =	shalt  }
0x82: {  	_ =	shalt  }
0x83: {  	_ =	shalt  }
0x84: {  	_ =	shalt  }
0x85: {  	_ =	shalt  }
0x86: {  	_ =	shalt  }
0x87: {  	_ =	shalt  }
.Lfunc_end0:
.L_simem_size_0:
called_computation.1_lowered:
.L_overlay_start_0:
0x88: {  	s2 =	sld [smem:$0x3FD9]  }
0x89: {  	s3 =	sld [smem:$0x3FFE];
	_ =	sdelay $0x1  }
0x8a: {  	s1 =	srdreg.scid  }
0x8b: {  	s0 =	sand.u32 $0x1, s1  }
0x8c: {  	s17 =	sshll.u32 s0, $0xA;
	s2 =	sadd.s32 s3, s2  }
0x8d: {  	s2 =	sadd.s32 s2, s17  }
0x8e: {  	[smem:$0x3FC0] =	sst s2  }
0x8f: {  	_ = 	snop  }
0x90: {  	s18 =	sld [smem:$0x3FD0];
	(tm) =	ssettm $0x1  }
0x91: {  	s19 =	sld [smem:$0x3FFB];
	_ =	sdelay $0x3  }
0x92: {  	_ =	strace s19  }
0x93: {  	s2 =	sld [smem:$0x3FFC];
	_ =	sdelay $0x3  }
0x94: {  	_ =	strace s2  }
0x95: {  	s2 =	sld [smem:$0x3FFD];
	_ =	sdelay $0x3  }
0x96: {  	_ =	strace s2  }
0x97: {  	_ =	strace $0x8FFFFFFF  }
0x98: {  	s20 =	sld [smem:$0x3FDB];
	_ =	sdelay $0x1  }
0x99: {  	s4 =	simm.s32 $_scs_section_size  }
0x9a: {  	s5 =	simm.s32 $_size__tile_overlayer_lowered;
	s6 =	simm.s32 $_tile_overlayer_lowered  }
0x9b: {  	s7 =	simm.s32 $0x1BFF;
	s21 =	sshll.u32 s6, $0x1;
	s4 =	sadd.s32 s4, s20  }
0x9c: {  	s22 =	simm.s32 $0x0;
	s5 =	sshll.u32 s5, $0x1;
	s6 =	sadd.s32 s21, s4  }
0x9d: {  	[timem:s22], [sflag:s7] =	dma.local [hbm:s6], s5  }
0x9e: {  	_ =	swait.ge [sflag:s7], s5  }
0x9f: {  	s5 =	ssub.s32 $0x0, s5;
	[sflag:s7] =	ssyncset.done $0x0  }
0xa0: {  	[sflag:s7] =	ssyncadd.s32 s5;
	_ =	sdelay $0x1  }
0xa1: {  	s23 =	simm.s32 $0x1B8B  }
0xa2: {  	_ =	swait.ge [sflag:s23], $0x1  }
0xa3: {  	[sflag:s23] =	ssyncset.done $0x0  }
0xa4: {  	[sflag:s23] =	ssyncadd.s32 $0xFFFFFFFF  }
0xa5: {  	s5 =	sld [smem:$0x0]  }
0xa6: {  	s6 =	sand.u32 $0xFFFFFFFE, s1  }
0xa7: {  	p0 =	sne.s32 s1, s6  }
0xa8: {  	s6 =	sshll.u32 @p0 s6, $0xE  }
0xa9: {  	s6 =	sadd.s32 @p0 $0x11B8D, s6;
	s7 =	sshll.u32 @p0 s5, $0x11  }
0xaa: {  	s6 =	sor.u32 @p0 s7, s6  }
0xab: {  	[sflag:s6] =	ssyncadd.remote.s32 @p0 $0x1;
	_ =	sdelay $0x1  }
0xac: {  	s6 =	simm.s32 @p0 $0x1B8D  }
0xad: {  	_ =	swait.eq @p0 [sflag:s6], $0x1  }
0xae: {  	[sflag:s6] =	ssyncadd.s32 @p0 $0xFFFFFFFF  }
0xaf: {  	s7 =	sshll.u32 @!p0 s1, $0xE  }
0xb0: {  	s7 =	sor.u32 @!p0 $0x4000, s7;
	s6 =	simm.s32 @!p0 $0x1B8D  }
0xb1: {  	s5 =	sshll.u32 @!p0 s5, $0x11;
	s7 =	sadd.s32 @!p0 $0x11B8D, s7;
	_ =	swait.eq @!p0 [sflag:s6], $0x1  }
0xb2: {  	s5 =	sor.u32 @!p0 s5, s7;
	[sflag:s6] =	ssyncadd.s32 @!p0 $0xFFFFFFFF  }
0xb3: {  	s25 =	simm.s32 $0x1B8E;
	s24 =	sld [smem:$0x3FFE];
	[sflag:s5] =	ssyncadd.remote.s32 @!p0 $0x1  }
0xb4: {  	s26 =	simm.s32 $execute0_lowered;
	[smem:$0x3FD2] =	sst s25  }
0xb5: {  	s6 =	sshll.u32 s26, $0x1;
	_ =	strace $0x8000004C;
	[dreg:$0x1] =	wrdreg $0xFFFFFFFF  }
0xb6: {  	s28 =	simm.s32 $_size_execute0_lowered;
	s4 =	sadd.s32 s4, s6;
	[dreg:$0x0] =	wrdreg $0x0  }
0xb7: {  	s6 =	sshll.u32 s28, $0x1;
	[dreg:$0x2] =	wrdreg s4  }
0xb8: {  	[dreg:$0x3] =	wrdreg s6  }
0xb9: {  	[dreg:$0x4] =	wrdreg $0xC0  }
0xba: {  	_ =	task [dreg:s22], $0x5FFFF  }
0xbb: {  	[dreg:$0x1] =	wrdreg $0xFFFFFFFF  }
0xbc: {  	[dreg:$0x0] =	wrdreg $0x60  }
0xbd: {  	[dreg:$0x2] =	wrdreg s24  }
0xbe: {  	[dreg:$0x3] =	wrdreg s18  }
0xbf: {  	[dreg:$0x4] =	wrdreg $0xB5000  }
0xc0: {  	[dreg:$0x5] =	wrdreg $0xA  }
0xc1: {  	_ =	task.clear_ibuf [dreg:s22], $0x6FFFF;
	_ =	strace $0x9000004C  }
0xc2: {  	s29 =	simm.s32 $0xA;
	_ =	strace $0x8000004E  }
0xc3: {  	_ =	swait.ge [sflag:s29], $0x1  }
0xc4: {  	[sflag:s29] =	ssyncadd.s32 $0xFFFFFFFF  }
0xc5: {  	_ =	strace $0x9000004E  }
0xc6: {  	_ =	sfence  }
0xc7: {  	s30 =	sld [smem:$0x0];
	_ =	sdelay $0x2  }
0xc8: {  	s31 =	sshll.u32 s1, $0xD;
	s1 =	sshrl.u32 s1, $0x2  }
0xc9: {  	s4 =	sand.u32 $0x4000, s31;
	s1 =	sadd.s32 s1, s30  }
0xca: {  	s0 =	sor.u32 s4, s0;
	s1 =	sshll.u32 s1, $0x11  }
0xcb: {  	s0 =	sor.u32 s1, s0  }
0xcc: {  	s0 =	sadd.s32 $0x8F2B, s0  }
0xcd: {  	[sflag:s0] =	ssyncadd.remote.s32 $0x1  }
0xce: {  	_ =	sfence.sel $0xFFFF  }
0xcf: {  	[dreg:$0x0] =	wrdreg $0xFFFFFFFF;
	(pc) =	sbr.abs _section_cstart, $3  }
0xd0: {  	[dreg:$0x1] =	wrdreg $0xFFFFFFFF  }
0xd1: {  	_ =	task.clear_ibuf [dreg:s22], $0x2FFFF;
	_ =	strace $0x9FFFFFFF  }
0xd2: {  	(tm) =	ssettm $0x7FFFFFFF  }
0xd3: {  	_ =	shalt  }
tec
execute0_lowered:
.L_overlay_start_1:
0x0: {  	(tag) =	ssettag $0x1  }
0x1: {  	s5 =	rddreg [dreg:$0x0]  }
0x2: {  	s9 =	rddreg [dreg:$0x1];
	s1 =	srdreg.scid  }
0x3: {  	s0 =	stileid.u32;
	s2 =	rddreg [dreg:$0x2]  }
0x4: {  	s3 =	simm.s32 $0x0;
	s14 =	simm.s32 $0x80;
	s15 =	simm.s32 $0x3500  }
0x5: {  	s16 =	simm.s32 $0x7500;
	s17 =	simm.s32 $0x1;
	s18 =	simm.s32 $0x2  }
0x6: {  	s19 =	simm.s32 $0x3100;
	s20 =	simm.s32 $0x3180;
	s21 =	simm.s32 $0x0  }
0x7: {  	s6 =	sand.u32 $0x1, s1;
	s4 =	sshll.u32 s0, $0x1;
	s1 =	rddreg [dreg:$0x3]  }
0x8: {  	[smem:$0x7FF] =	sst s3;
	s8 =	smul.u32 $0x380, s0;
	s30 =	sshll.u32 s0, $0xE  }
0x9: {  	s12 =	sshll.u32 s0, $0x6;
	s7 =	sor.u32 s6, s4;
	_ =	strace $0x8000004D  }
0xa: {  	s6 =	ssub.s32 $0x2, s6;
	s13 =	sadd.s32 s30, s2;
	s4 =	smul.u32 $0x320, s7  }
0xb: {  	s8 =	sadd.s32 s8, s5;
	s11 =	sshrl.u32 s6, $0x1;
	s31 =	sshll.u32 s7, $0xB  }
0xc: {  	s11 =	ssub.s32 s6, s11;
	s6 =	sor.u32 $0x1C03, s12;
	s8 =	sadd.s32 $0xC600, s8  }
0xd: {  	s9 =	sadd.s32 s9, s31;
	s12 =	simm.s32 $0x3;
	s10 =	sadd.s32 s4, s5  }
0xe: {  	s4 =	sadd.s32 $0x13600, s5;
	s5 =	sadd.s32 $0x33E00, s5;
	s7 =	sadd.s32 $0x2A00, s10  }
0xf: {  	s10 =	smax.u32 s11, $0x1;
	s11 =	sshrl.u32 s13, $0x3;
	s13 =	simm.s32 $0x1900  }
.LBB2_1:
0x10: {  	[spmem:s11], [sflag:s6] =	dma.local [hbm:s4], $0x800  }
0x11: {  	_ =	swait.ge [sflag:s12], $0x800  }
0x12: {  	[sflag:s12] =	ssyncset.done $0x0  }
0x13: {  	[sflag:s12] =	ssyncadd.s32 $0xFFFFF800  }
0x14: {  	[tilespmem:s3], [sflag:$0x3] =	stream.linear.gather [hbm4b:s7+s3], $0x1900, $0x38;
	[tilespmem:$0xF500] =	vst v63  }
0x15: {  	_ =	swait.ge [sflag:s12], $0x1900  }
0x16: {  	[sflag:s12] =	ssyncset.done $0x0  }
0x17: {  	[sflag:s12] =	ssyncadd.s32 $0xFFFFE700  }
0x18: {  	[tilespmem:s13], [sflag:$0x3] =	stream.linear.gather [hbm4b:s8+s3], $0x1900, $0x38;
	[tilespmem:$0xF500] =	vst v63  }
0x19: {  	_ =	swait.ge [sflag:s12], $0x1900  }
0x1a: {  	[sflag:s12] =	ssyncset.done $0x0  }
0x1b: {  	[sflag:s12] =	ssyncadd.s32 $0xFFFFE700  }
0x1c: {  	[tilespmem:s15], [sflag:$0x1] =	stream.indirect.gather [hbm4b:s5+s14], $0x80, s3, s14, $0xb8;
	[tilespmem:$0xF500] =	vst v63  }
0x1d: {  	_ = 	snop  }
0x1e: {  	[tilespmem:s16], [sflag:$0x2] =	stream.indirect.gather [hbm4b:s5+s14], $0x80, s14, s14, $0xb8;
	[tilespmem:$0xF500] =	vst v63  }
0x1f: {  	_ =	swait.ge [sflag:s17], $0x4000  }
0x20: {  	[sflag:s17] =	ssyncset.done $0x0  }
0x21: {  	s22 =	simm.s32 $0x1900;
	[sflag:s17] =	ssyncadd.s32 $0xFFFFC000  }
0x22: {  	[spmem:s2] =	stream.indirect.scatter.add.f32 [tilespmem:s15], [sflag:$0x3], $0x80, s22, s14, $0xb8;
	[tilespmem:$0xF500] =	vst v63  }
0x23: {  	_ =	swait.ge [sflag:s12], $0x4000  }
0x24: {  	[sflag:s12] =	ssyncset.done $0x0  }
0x25: {  	s30 =	simm.s32 $0x100;
	[sflag:s12] =	ssyncadd.s32 $0xFFFFC000  }
0x26: {  	[tilespmem:s15], [sflag:$0x1] =	stream.indirect.gather [hbm4b:s5+s14], $0x80, s30, s14, $0xb8;
	[tilespmem:$0xF500] =	vst v63  }
0x27: {  	_ =	swait.ge [sflag:s18], $0x4000  }
0x28: {  	[sflag:s18] =	ssyncset.done $0x0  }
0x29: {  	s31 =	simm.s32 $0x1980;
	[sflag:s18] =	ssyncadd.s32 $0xFFFFC000  }
0x2a: {  	[spmem:s2] =	stream.indirect.scatter.add.f32 [tilespmem:s16], [sflag:$0x3], $0x80, s31, s14, $0xb8;
	[tilespmem:$0xF500] =	vst v63  }
0x2b: {  	_ =	swait.ge [sflag:s12], $0x4000  }
0x2c: {  	[sflag:s12] =	ssyncset.done $0x0  }
0x2d: {  	s23 =	simm.s32 $0x180;
	s22 =	simm.s32 $0x400;
	[sflag:s12] =	ssyncadd.s32 $0xFFFFC000  }
.LBB2_2:
0x2e: {  	[tilespmem:s16], [sflag:$0x2] =	stream.indirect.gather [hbm4b:s5+s14], $0x80, s23, s14, $0xb8;
	[tilespmem:$0xF500] =	vst v63  }
0x2f: {  	s23 =	smov.u32 s22  }
0x30: {  	p0 =	sne.s32 s22, $0x5C00;
	s22 =	sadd.s32 $0x400, s22;
	_ =	swait.ge [sflag:s17], $0x4000  }
0x31: {  	s23 =	sshra.s32 s23, $0x2;
	[sflag:s17] =	ssyncset.done $0x0  }
0x32: {  	s24 =	sadd.s32 $0x1900, s23;
	[sflag:s17] =	ssyncadd.s32 $0xFFFFC000  }
0x33: {  	[spmem:s2] =	stream.indirect.scatter.add.f32 [tilespmem:s15], [sflag:$0x3], $0x80, s24, s14, $0xb8;
	[tilespmem:$0xF500] =	vst v63  }
0x34: {  	_ =	swait.ge [sflag:s12], $0x4000  }
0x35: {  	[sflag:s12] =	ssyncset.done $0x0  }
0x36: {  	s24 =	sadd.s32 $0x100, s23;
	[sflag:s12] =	ssyncadd.s32 $0xFFFFC000  }
0x37: {  	[tilespmem:s15], [sflag:$0x1] =	stream.indirect.gather [hbm4b:s5+s14], $0x80, s24, s14, $0xb8;
	[tilespmem:$0xF500] =	vst v63  }
0x38: {  	_ =	swait.ge [sflag:s18], $0x4000  }
0x39: {  	[sflag:s18] =	ssyncset.done $0x0  }
.Ltmp0:
0x3a: {  	s24 =	sadd.s32 $0x1980, s23;
	[sflag:s18] =	ssyncadd.s32 $0xFFFFC000;
	(pc) =	sbr.rel @p0 .LBB2_2-.Ltmp0, $4  }
0x3b: {  	[spmem:s2] =	stream.indirect.scatter.add.f32 [tilespmem:s16], [sflag:$0x3], $0x80, s24, s14, $0xb8;
	[tilespmem:$0xF500] =	vst v63  }
0x3c: {  	_ =	swait.ge [sflag:s12], $0x4000  }
0x3d: {  	[sflag:s12] =	ssyncset.done $0x0  }
0x3e: {  	s23 =	sadd.s32 $0x180, s23;
	[sflag:s12] =	ssyncadd.s32 $0xFFFFC000  }
0x3f: {  	[tilespmem:s16], [sflag:$0x2] =	stream.indirect.gather [hbm4b:s5+s14], $0x80, s23, s14, $0xb8;
	[tilespmem:$0xF500] =	vst v63  }
0x40: {  	_ =	swait.ge [sflag:s17], $0x4000  }
0x41: {  	[sflag:s17] =	ssyncset.done $0x0  }
0x42: {  	[sflag:s17] =	ssyncadd.s32 $0xFFFFC000  }
0x43: {  	[spmem:s2] =	stream.indirect.scatter.add.f32 [tilespmem:s15], [sflag:$0x3], $0x80, s19, s14, $0xb8;
	[tilespmem:$0xF500] =	vst v63  }
0x44: {  	_ =	swait.ge [sflag:s12], $0x4000  }
0x45: {  	[sflag:s12] =	ssyncset.done $0x0  }
0x46: {  	[sflag:s12] =	ssyncadd.s32 $0xFFFFC000  }
0x47: {  	_ =	swait.ge [sflag:s18], $0x4000  }
0x48: {  	[sflag:s18] =	ssyncset.done $0x0  }
0x49: {  	[sflag:s18] =	ssyncadd.s32 $0xFFFFC000  }
0x4a: {  	[spmem:s2] =	stream.indirect.scatter.add.f32 [tilespmem:s16], [sflag:$0x3], $0x80, s20, s14, $0xb8;
	[tilespmem:$0xF500] =	vst v63  }
0x4b: {  	_ =	swait.ge [sflag:s12], $0x4000  }
0x4c: {  	s21 =	sadd.s32 $0x1, s21;
	[sflag:s12] =	ssyncset.done $0x0  }
0x4d: {  	p0 =	sne.s32 s21, s10;
	[sflag:s12] =	ssyncadd.s32 $0xFFFFC000  }
.Ltmp1:
0x4e: {  	[bflag:$0x0] =	sbarrier.arrive $0xFFFF;
	(pc) =	sbr.rel @p0 .LBB2_1-.Ltmp1, $4  }
0x4f: {  	[hbm:s9], [sflag:s6] =	dma.local [spmem:s11], $0x800  }
0x50: {  	_ =	swait.ge [sflag:s12], $0x800  }
0x51: {  	[sflag:s12] =	ssyncset.done $0x0  }
0x52: {  	[sflag:s12] =	ssyncadd.s32 $0xFFFFF800  }
0x53: {  	_ =	sfence.sel $0x180000  }
0x54: {  	[bflag:$0x0] =	sbarrier.arrive $0xFFFF  }
0x55: {  	p0 =	sne.s32 s0, $0x0;
	_ =	strace $0x9000004D  }
0x56: {  	s0 =	sadd.s32 @!p0 $0x100000, s1;
	[bflag:$0x2] =	sbarrier.arrive $0xFFFF  }
0x57: {  	[sflag:s0] =	ssyncadd.tile.s32 @!p0 $0x1;
	_ =	shalt  }
.Lfunc_end2:
_tile_overlayer_lowered:
.L_overlay_start_2:
0x58: {  	(tag) =	ssettag $0x2  }
0x59: {  	s0 =	rddreg [dreg:$0x0];
	s2 =	stileid.u32  }
0x5a: {  	s1 =	rddreg [dreg:$0x1];
	p0 =	sne.s32 s2, $0x0  }
0x5b: {  	s3 =	rddreg [dreg:$0x2];
	[bflag:$0x3] =	sbarrier.arrive $0xFFFF;
	s2 =	simm.s32 @!p0 $0x1C03  }
0x5c: {  	[timem:s3], [sflag:s2] =	dma.local @!p0 [hbm:s0], s1  }
0x5d: {  	s0 =	simm.s32 @!p0 $0x3  }
0x5e: {  	_ =	swait.ge @!p0 [sflag:s0], s1  }
0x5f: {  	s1 =	ssub.s32 @!p0 $0x0, s1;
	[sflag:s0] =	ssyncset.done @!p0 $0x0  }
0x60: {  	[sflag:s0] =	ssyncadd.s32 @!p0 s1  }
0x61: {  	[bflag:$0x3] =	sbarrier.arrive $0xFFFF  }
0x62: {  	_ =	shalt  }

</sc_bundles>
